<compile_context>
chip_gen: v7x
topology: tpu7x:2x2x1
jax: 0.10.2.dev20260603
libtpu: 0.0.44.dev20260713+nightly
codegen_flags: <defaults>
</compile_context>

<pallas_src>
import functools

import jax
import jax.numpy as jnp
from jax import lax
from jax.experimental import pallas as pl
from jax.experimental.pallas import tpu as pltpu
from jax.experimental.pallas import tpu_sc as plsc

N = 10000
E = 320000
D = 128
ALPHA = 0.2

NC = 2
NS = 16
NW = NC * NS
EP = E // NW
CK = 80
NCH = EP // CK
NPAD = 10240
RP = 624
BN = 1000


def _dense_body(f_ref, w_ref, alr_ref, ft_ref, a1_ref, a2_ref):
    ft = lax.dot_general(f_ref[...], w_ref[...], (((1,), (1,)), ((), ())),
                         preferred_element_type=jnp.float32)
    ft_ref[...] = ft
    a12 = jnp.dot(ft, alr_ref[...], preferred_element_type=jnp.float32)
    a1_ref[...] = a12[:, 0:1]
    a2_ref[...] = a12[:, 1:2]


_dense = pl.pallas_call(
    _dense_body,
    grid=(N // BN,),
    in_specs=[
        pl.BlockSpec((BN, D), lambda i: (i, 0)),
        pl.BlockSpec((D, D), lambda i: (0, 0)),
        pl.BlockSpec((D, 2), lambda i: (0, 0)),
    ],
    out_specs=[
        pl.BlockSpec((BN, D), lambda i: (i, 0)),
        pl.BlockSpec((BN, 1), lambda i: (i, 0)),
        pl.BlockSpec((BN, 1), lambda i: (i, 0)),
    ],
    out_shape=[
        jax.ShapeDtypeStruct((N, D), jnp.float32),
        jax.ShapeDtypeStruct((N, 1), jnp.float32),
        jax.ShapeDtypeStruct((N, 1), jnp.float32),
    ],
)


@functools.cache
def _build_sc_edge():
    mesh = plsc.VectorSubcoreMesh(
        core_axis_name="c", subcore_axis_name="s", num_cores=NC, num_subcores=NS
    )

    @functools.partial(
        pl.kernel,
        out_type=[
            jax.ShapeDtypeStruct((NC, N, D), jnp.float32),
            jax.ShapeDtypeStruct((NC, NPAD), jnp.float32),
        ],
        mesh=mesh,
        compiler_params=pltpu.CompilerParams(needs_layout_passes=False),
        scratch_types=[
            pltpu.VMEM((N,), jnp.float32),
            pltpu.VMEM((N,), jnp.float32),
            pltpu.VMEM((4, CK), jnp.int32),
            pltpu.VMEM((4, CK), jnp.int32),
            pltpu.VMEM((4, CK), jnp.float32),
            pltpu.VMEM((2, CK, D), jnp.float32),
            pltpu.VMEM_SHARED((N, D), jnp.float32),
            pltpu.VMEM_SHARED((NPAD,), jnp.float32),
            pltpu.SemaphoreType.DMA,
            pltpu.SemaphoreType.DMA,
            pltpu.SemaphoreType.DMA,
            pltpu.SemaphoreType.DMA,
        ],
    )
    def _sc_edge(ft_hbm, a1_hbm, a2_hbm, ei_hbm, usum_hbm, den_hbm,
                 a1_v, a2_v, srcc, dstc, sc_v, rows, usum_sh, den_sh,
                 esem, gsem, dsem, ssem):
        c = lax.axis_index("c")
        s = lax.axis_index("s")
        wid = s * NC + c

        a1d = pltpu.async_copy(a1_hbm, a1_v, esem)
        a2d = pltpu.async_copy(a2_hbm, a2_v, esem)

        z16 = jnp.zeros((16,), jnp.float32)

        def _zrow(i, carry):
            r = rows.at[0, i]
            for j in range(D // 16):
                r[pl.ds(j * 16, 16)] = z16
            return carry

        lax.fori_loop(0, CK, _zrow, 0)

        def _zcp(k, carry):
            pltpu.sync_copy(rows.at[0], usum_sh.at[pl.ds(s * RP + k * CK, CK)])
            return carry

        lax.fori_loop(0, 7, _zcp, 0)
        pltpu.sync_copy(rows.at[0, pl.ds(0, 64)],
                        usum_sh.at[pl.ds(s * RP + 560, 64)])

        @pl.when(s == NS - 1)
        def _():
            pltpu.sync_copy(rows.at[0], usum_sh.at[pl.ds(N - CK, CK)])

        def _zden(k, carry):
            pltpu.sync_copy(rows.at[0, 0],
                            den_sh.at[pl.ds(s * 640 + k * 128, 128)])
            return carry

        lax.fori_loop(0, 5, _zden, 0)
        a1d.wait()
        a2d.wait()
        plsc.subcore_barrier()

        def _compute_s(ch, m):
            for j in range(CK // 16):
                srcv = srcc.at[m][pl.ds(j * 16, 16)]
                dstv = dstc.at[m][pl.ds(j * 16, 16)]
                e = (plsc.load_gather(a1_v, [srcv])
                     + plsc.load_gather(a2_v, [dstv]))
                e = jnp.where(e > 0, e, ALPHA * e)
                sc_v.at[m][pl.ds(j * 16, 16)] = jnp.exp(e)

        def _issue_idx(ch):
            m = lax.rem(ch, 4)
            pltpu.async_copy(ei_hbm.at[0, wid, ch], srcc.at[m], esem)
            pltpu.async_copy(ei_hbm.at[1, wid, ch], dstc.at[m], esem)

        def _wait_idx(ch):
            m = lax.rem(ch, 4)
            pltpu.make_async_copy(ei_hbm.at[0, wid, ch], srcc.at[m],
                                  esem).wait()
            pltpu.make_async_copy(ei_hbm.at[1, wid, ch], dstc.at[m],
                                  esem).wait()

        def _issue_gather(ch):
            m = lax.rem(ch, 4)
            p = lax.rem(ch, 2)
            pltpu.async_copy(ft_hbm.at[srcc.at[m]], rows.at[p], gsem)

        def _wait_gather(ch):
            m = lax.rem(ch, 4)
            p = lax.rem(ch, 2)
            pltpu.make_async_copy(ft_hbm.at[srcc.at[m]], rows.at[p],
                                  gsem).wait()

        def _issue_den(ch):
            m = lax.rem(ch, 4)
            pltpu.async_copy(sc_v.at[m], den_sh.at[dstc.at[m]], dsem, add=True)

        def _wait_den(ch):
            m = lax.rem(ch, 4)
            pltpu.make_async_copy(sc_v.at[m], den_sh.at[dstc.at[m]],
                                  dsem).wait()

        def _issue_scat(ch):
            m = lax.rem(ch, 4)
            p = lax.rem(ch, 2)
            pltpu.async_copy(rows.at[p], usum_sh.at[dstc.at[m]], ssem,
                             add=True)

        def _wait_scat(ch):
            m = lax.rem(ch, 4)
            p = lax.rem(ch, 2)
            pltpu.make_async_copy(rows.at[p], usum_sh.at[dstc.at[m]],
                                  ssem).wait()

        _issue_idx(0)
        _wait_idx(0)
        _issue_gather(0)
        _compute_s(0, 0)
        _issue_den(0)
        _issue_idx(1)

        def _iter(ch, carry):
            @pl.when(ch < NCH - 1)
            def _():
                _wait_idx(ch + 1)
                _compute_s(ch + 1, lax.rem(ch + 1, 4))

            @pl.when(ch >= 1)
            def _():
                _wait_scat(ch - 1)
                _wait_den(ch - 1)

            @pl.when(ch < NCH - 1)
            def _():
                _issue_gather(ch + 1)
                _issue_den(ch + 1)

                @pl.when(ch < NCH - 2)
                def _():
                    _issue_idx(ch + 2)

            _wait_gather(ch)

            m0 = lax.rem(ch, 4)
            p0 = lax.rem(ch, 2)

            def _splat(i):
                return plsc.load_gather(
                    sc_v, [jnp.full((16,), m0, jnp.int32),
                           jnp.full((16,), i, jnp.int32)])

            def _scale(i, carry2):
                sp0, sp1 = carry2
                spn0 = _splat(jnp.minimum(2 * i + 2, CK - 1))
                spn1 = _splat(jnp.minimum(2 * i + 3, CK - 1))
                r0 = rows.at[p0, 2 * i]
                r1 = rows.at[p0, 2 * i + 1]
                for j in range(D // 16):
                    r0[pl.ds(j * 16, 16)] = r0[pl.ds(j * 16, 16)] * sp0
                for j in range(D // 16):
                    r1[pl.ds(j * 16, 16)] = r1[pl.ds(j * 16, 16)] * sp1
                return (spn0, spn1)

            lax.fori_loop(0, CK // 2, _scale,
                          (_splat(jnp.int32(0)), _splat(jnp.int32(1))))
            _issue_scat(ch)
            return carry

        lax.fori_loop(0, NCH, _iter, 0)
        _wait_den(NCH - 1)
        _wait_scat(NCH - 1)
        plsc.subcore_barrier()

        @pl.when(s < NS - 1)
        def _():
            pltpu.sync_copy(usum_sh.at[pl.ds(s * RP, RP)],
                            usum_hbm.at[c, pl.ds(s * RP, RP)])

        @pl.when(s == NS - 1)
        def _():
            pltpu.sync_copy(usum_sh.at[pl.ds((NS - 1) * RP, N - (NS - 1) * RP)],
                            usum_hbm.at[c, pl.ds((NS - 1) * RP, N - (NS - 1) * RP)])

        pltpu.sync_copy(den_sh.at[pl.ds(s * 640, 640)],
                        den_hbm.at[c, pl.ds(s * 640, 640)])

    return _sc_edge


def _norm_body(u_ref, d_ref, o_ref):
    u = u_ref[0] + u_ref[1]
    den = d_ref[0] + d_ref[1]
    safe = jnp.where(den > 0, den, 1.0)
    o_ref[...] = (u / safe)[:, None, :]


_norm = pl.pallas_call(
    _norm_body,
    grid=(N // BN,),
    in_specs=[
        pl.BlockSpec((2, BN, D), lambda i: (0, i, 0)),
        pl.BlockSpec((2, BN, 1), lambda i: (0, i, 0)),
    ],
    out_specs=pl.BlockSpec((BN, 1, D), lambda i: (i, 0, 0)),
    out_shape=jax.ShapeDtypeStruct((N, 1, D), jnp.float32),
)


def kernel(feature, edge_index, W, attn_l, attn_r):
    alr = jnp.stack([attn_l.reshape(D), attn_r.reshape(D)], axis=1)
    ft, a1o, a2o = _dense(feature, W, alr)
    ei4 = edge_index.reshape(2, NW, NCH, CK)
    usum, den = _build_sc_edge()(ft, a1o.reshape(N), a2o.reshape(N), ei4)
    den3 = den[:, :N].reshape(NC, N, 1)
    return _norm(usum, den3)

# --- scband reference (transcript-rebuilt; emitter-appended) ---
"""Pipeline reference for scband-gatlayer-19688130085867 (READ-ONLY COPY).

The authoritative reference and input builder live on the scoring server;
editing this copy changes nothing except your own understanding.
"""

import jax, jax.numpy as jnp
import numpy as np

N = 10000
E = 320000
D_IN = 128
H = 1
D_OUT = 128
ALPHA = 0.2


def setup_inputs(seed: int = 0) -> dict:
    key = jax.random.key(seed)
    k1, k2, k3, k4, k5 = jax.random.split(key, 5)
    feature = jax.random.normal(k1, (N, D_IN), dtype=jnp.float32)
    edge_index = jax.random.randint(k2, (2, E), 0, N, dtype=jnp.int32)
    # fc weight (torch nn.Linear: [H*D_OUT, D_IN]), xavier-like scale
    W = jax.random.normal(k3, (H * D_OUT, D_IN), dtype=jnp.float32) * 0.1
    attn_l = jax.random.normal(k4, (1, H, D_OUT), dtype=jnp.float32) * 0.1
    attn_r = jax.random.normal(k5, (1, H, D_OUT), dtype=jnp.float32) * 0.1
    return {"feature": feature, "edge_index": edge_index, "W": W, "attn_l": attn_l, "attn_r": attn_r}


def reference(feature, edge_index, W, attn_l, attn_r):
    # dropout layers are identity at inference (feat_drop=attn_drop=0.0)
    src = edge_index[0]
    dst = edge_index[1]
    n = feature.shape[0]
    ft = (feature @ W.T).reshape(n, H, D_OUT)           # [N,H,D]
    a1 = jnp.sum(ft * attn_l, axis=-1)                  # [N,H]
    a2 = jnp.sum(ft * attn_r, axis=-1)                  # [N,H]
    # edge attention: leaky_relu(a1[src] + a2[dst])
    e = a1[src] + a2[dst]                               # [E,H]
    e = jnp.where(e > 0, e, ALPHA * e)
    # edge softmax normalized over incoming edges of each dst node
    e_max = jax.ops.segment_max(e, dst, num_segments=n)  # [N,H]
    e_max = jnp.where(jnp.isfinite(e_max), e_max, 0.0)
    ex = jnp.exp(e - e_max[dst])                        # [E,H]
    denom = jax.ops.segment_sum(ex, dst, num_segments=n)  # [N,H]
    alpha = ex / denom[dst]                             # [E,H]
    # message passing: sum_{src->dst} ft[src] * alpha
    msg = ft[src] * alpha[:, :, None]                   # [E,H,D]
    out = jax.ops.segment_sum(msg, dst, num_segments=n)  # [N,H,D]
    return out

if __name__ == "__main__":
    import jax
    _d = setup_inputs()
    print(jax.jit(kernel)(*tuple(_d.values())))

</pallas_src>

<mosaic_0001>
#map = affine_map<(d0, d1) -> (0, 0)>
#map1 = affine_map<(d0, d1) -> (0)>
#map2 = affine_map<(d0, d1) -> (0, 0, 0, 0)>
#map3 = affine_map<(d0, d1) -> (0, 0, 0)>
module attributes {stable_mosaic.version = 14 : i64} {
  func.func @_sc_edge(%arg0: i32, %arg1: i32, %arg2: memref<10000x128xf32, #tpu.memory_space<hbm>>, %arg3: memref<10000xf32, #tpu.memory_space<hbm>>, %arg4: memref<10000xf32, #tpu.memory_space<hbm>>, %arg5: memref<2x32x125x80xi32, #tpu.memory_space<hbm>>, %arg6: memref<2x10000x128xf32, #tpu.memory_space<hbm>>, %arg7: memref<2x10240xf32, #tpu.memory_space<hbm>>, %arg8: memref<10000xf32, #tpu.memory_space<vmem>>, %arg9: memref<10000xf32, #tpu.memory_space<vmem>>, %arg10: memref<4x80xi32, #tpu.memory_space<vmem>>, %arg11: memref<4x80xi32, #tpu.memory_space<vmem>>, %arg12: memref<4x80xf32, #tpu.memory_space<vmem>>, %arg13: memref<2x80x128xf32, #tpu.memory_space<vmem>>, %arg14: memref<10000x128xf32, #tpu.memory_space<vmem_shared>>, %arg15: memref<10240xf32, #tpu.memory_space<vmem_shared>>, %arg16: memref<!tpu.dma_semaphore, #tpu.memory_space<semaphore_mem>>, %arg17: memref<!tpu.dma_semaphore, #tpu.memory_space<semaphore_mem>>, %arg18: memref<!tpu.dma_semaphore, #tpu.memory_space<semaphore_mem>>, %arg19: memref<!tpu.dma_semaphore, #tpu.memory_space<semaphore_mem>>) attributes {dimension_semantics = [#tpu.dimension_semantics<core_parallel>, #tpu.dimension_semantics<subcore_parallel>], iteration_bounds = array<i64: 2, 16>, scalar_prefetch = 0 : i64, scratch_operands = 12 : i64, tpu.core_type = #tpu.core_type<sc_vector_subcore>, window_params = [{transform_indices = #map}, {transform_indices = #map1}, {transform_indices = #map1}, {transform_indices = #map2}, {transform_indices = #map3}, {transform_indices = #map}]} {
    %mul3A = arith.constant 2 : i32
    %mul3A_0 = arith.muli %arg1, %mul3A : i32
    %add3A = arith.addi %mul3A_0, %arg0 : i32
    tpu.enqueue_dma source(%arg3 : memref<10000xf32, #tpu.memory_space<hbm>>) target(%arg8 : memref<10000xf32, #tpu.memory_space<vmem>>) target_semaphore(%arg16 : memref<!tpu.dma_semaphore, #tpu.memory_space<semaphore_mem>>)
    tpu.enqueue_dma source(%arg4 : memref<10000xf32, #tpu.memory_space<hbm>>) target(%arg9 : memref<10000xf32, #tpu.memory_space<vmem>>) target_semaphore(%arg16 : memref<!tpu.dma_semaphore, #tpu.memory_space<semaphore_mem>>)
    %broadcast_in_dim3A = arith.constant 0.000000e+00 : f32
    %broadcast_in_dim3A_1 = vector.broadcast %broadcast_in_dim3A : f32 to vector<16xf32>
    %scan3A = arith.constant 0 : i32
    %scan3A_2 = arith.constant 0 : i32
    %scan3A_3 = arith.constant 80 : i32
    %scan3A_4 = arith.addi %scan3A_2, %scan3A_3 : i32
    %scan3A_5 = arith.constant 1 : i32
    scf.for %scan3A_328 = %scan3A_2 to %scan3A_4 step %scan3A_5  : i32 {
      %swap3A_329 = arith.constant 0 : i32
      %swap3A_330 = arith.constant 0 : i32
      %swap3A_331 = tpu.memref_slice %arg13[%swap3A_329, %scan3A_328, %swap3A_330] : memref<2x80x128xf32, #tpu.memory_space<vmem>> -> memref<1x1x128xf32, #tpu.memory_space<vmem>>
      %swap3A_332 = tpu.memref_squeeze %swap3A_331 : memref<1x1x128xf32, #tpu.memory_space<vmem>> -> memref<128xf32, #tpu.memory_space<vmem>>
      %swap3A_333 = arith.constant 0 : index
      %swap3A_334 = tpu.vector_load %swap3A_332[%swap3A_333] {strides = array<i32>} : memref<128xf32, #tpu.memory_space<vmem>>, vector<16xf32>,
      tpu.vector_store %swap3A_332[%swap3A_333], %broadcast_in_dim3A_1 {strides = array<i32>} : memref<128xf32, #tpu.memory_space<vmem>>, vector<16xf32>,
      %swap3A_335 = arith.constant 0 : i32
      %swap3A_336 = arith.constant 0 : i32
      %swap3A_337 = tpu.memref_slice %arg13[%swap3A_335, %scan3A_328, %swap3A_336] : memref<2x80x128xf32, #tpu.memory_space<vmem>> -> memref<1x1x128xf32, #tpu.memory_space<vmem>>
      %swap3A_338 = tpu.memref_squeeze %swap3A_337 : memref<1x1x128xf32, #tpu.memory_space<vmem>> -> memref<128xf32, #tpu.memory_space<vmem>>
      %swap3A_339 = arith.constant 16 : index
      %swap3A_340 = tpu.vector_load %swap3A_338[%swap3A_339] {strides = array<i32>} : memref<128xf32, #tpu.memory_space<vmem>>, vector<16xf32>,
      tpu.vector_store %swap3A_338[%swap3A_339], %broadcast_in_dim3A_1 {strides = array<i32>} : memref<128xf32, #tpu.memory_space<vmem>>, vector<16xf32>,
      %swap3A_341 = arith.constant 0 : i32
      %swap3A_342 = arith.constant 0 : i32
      %swap3A_343 = tpu.memref_slice %arg13[%swap3A_341, %scan3A_328, %swap3A_342] : memref<2x80x128xf32, #tpu.memory_space<vmem>> -> memref<1x1x128xf32, #tpu.memory_space<vmem>>
      %swap3A_344 = tpu.memref_squeeze %swap3A_343 : memref<1x1x128xf32, #tpu.memory_space<vmem>> -> memref<128xf32, #tpu.memory_space<vmem>>
      %swap3A_345 = arith.constant 32 : index
      %swap3A_346 = tpu.vector_load %swap3A_344[%swap3A_345] {strides = array<i32>} : memref<128xf32, #tpu.memory_space<vmem>>, vector<16xf32>,
      tpu.vector_store %swap3A_344[%swap3A_345], %broadcast_in_dim3A_1 {strides = array<i32>} : memref<128xf32, #tpu.memory_space<vmem>>, vector<16xf32>,
      %swap3A_347 = arith.constant 0 : i32
      %swap3A_348 = arith.constant 0 : i32
      %swap3A_349 = tpu.memref_slice %arg13[%swap3A_347, %scan3A_328, %swap3A_348] : memref<2x80x128xf32, #tpu.memory_space<vmem>> -> memref<1x1x128xf32, #tpu.memory_space<vmem>>
      %swap3A_350 = tpu.memref_squeeze %swap3A_349 : memref<1x1x128xf32, #tpu.memory_space<vmem>> -> memref<128xf32, #tpu.memory_space<vmem>>
      %swap3A_351 = arith.constant 48 : index
      %swap3A_352 = tpu.vector_load %swap3A_350[%swap3A_351] {strides = array<i32>} : memref<128xf32, #tpu.memory_space<vmem>>, vector<16xf32>,
      tpu.vector_store %swap3A_350[%swap3A_351], %broadcast_in_dim3A_1 {strides = array<i32>} : memref<128xf32, #tpu.memory_space<vmem>>, vector<16xf32>,
      %swap3A_353 = arith.constant 0 : i32
      %swap3A_354 = arith.constant 0 : i32
      %swap3A_355 = tpu.memref_slice %arg13[%swap3A_353, %scan3A_328, %swap3A_354] : memref<2x80x128xf32, #tpu.memory_space<vmem>> -> memref<1x1x128xf32, #tpu.memory_space<vmem>>
      %swap3A_356 = tpu.memref_squeeze %swap3A_355 : memref<1x1x128xf32, #tpu.memory_space<vmem>> -> memref<128xf32, #tpu.memory_space<vmem>>
      %swap3A_357 = arith.constant 64 : index
      %swap3A_358 = tpu.vector_load %swap3A_356[%swap3A_357] {strides = array<i32>} : memref<128xf32, #tpu.memory_space<vmem>>, vector<16xf32>,
      tpu.vector_store %swap3A_356[%swap3A_357], %broadcast_in_dim3A_1 {strides = array<i32>} : memref<128xf32, #tpu.memory_space<vmem>>, vector<16xf32>,
      %swap3A_359 = arith.constant 0 : i32
      %swap3A_360 = arith.constant 0 : i32
      %swap3A_361 = tpu.memref_slice %arg13[%swap3A_359, %scan3A_328, %swap3A_360] : memref<2x80x128xf32, #tpu.memory_space<vmem>> -> memref<1x1x128xf32, #tpu.memory_space<vmem>>
      %swap3A_362 = tpu.memref_squeeze %swap3A_361 : memref<1x1x128xf32, #tpu.memory_space<vmem>> -> memref<128xf32, #tpu.memory_space<vmem>>
      %swap3A_363 = arith.constant 80 : index
      %swap3A_364 = tpu.vector_load %swap3A_362[%swap3A_363] {strides = array<i32>} : memref<128xf32, #tpu.memory_space<vmem>>, vector<16xf32>,
      tpu.vector_store %swap3A_362[%swap3A_363], %broadcast_in_dim3A_1 {strides = array<i32>} : memref<128xf32, #tpu.memory_space<vmem>>, vector<16xf32>,
      %swap3A_365 = arith.constant 0 : i32
      %swap3A_366 = arith.constant 0 : i32
      %swap3A_367 = tpu.memref_slice %arg13[%swap3A_365, %scan3A_328, %swap3A_366] : memref<2x80x128xf32, #tpu.memory_space<vmem>> -> memref<1x1x128xf32, #tpu.memory_space<vmem>>
      %swap3A_368 = tpu.memref_squeeze %swap3A_367 : memref<1x1x128xf32, #tpu.memory_space<vmem>> -> memref<128xf32, #tpu.memory_space<vmem>>
      %swap3A_369 = arith.constant 96 : index
      %swap3A_370 = tpu.vector_load %swap3A_368[%swap3A_369] {strides = array<i32>} : memref<128xf32, #tpu.memory_space<vmem>>, vector<16xf32>,
      tpu.vector_store %swap3A_368[%swap3A_369], %broadcast_in_dim3A_1 {strides = array<i32>} : memref<128xf32, #tpu.memory_space<vmem>>, vector<16xf32>,
      %swap3A_371 = arith.constant 0 : i32
      %swap3A_372 = arith.constant 0 : i32
      %swap3A_373 = tpu.memref_slice %arg13[%swap3A_371, %scan3A_328, %swap3A_372] : memref<2x80x128xf32, #tpu.memory_space<vmem>> -> memref<1x1x128xf32, #tpu.memory_space<vmem>>
      %swap3A_374 = tpu.memref_squeeze %swap3A_373 : memref<1x1x128xf32, #tpu.memory_space<vmem>> -> memref<128xf32, #tpu.memory_space<vmem>>
      %swap3A_375 = arith.constant 112 : index
      %swap3A_376 = tpu.vector_load %swap3A_374[%swap3A_375] {strides = array<i32>} : memref<128xf32, #tpu.memory_space<vmem>>, vector<16xf32>,
      tpu.vector_store %swap3A_374[%swap3A_375], %broadcast_in_dim3A_1 {strides = array<i32>} : memref<128xf32, #tpu.memory_space<vmem>>, vector<16xf32>,
    }
    %scan3A_6 = arith.constant 80 : i32
    %scan3A_7 = arith.constant 0 : i32
    %scan3A_8 = arith.constant 0 : i32
    %scan3A_9 = arith.constant 7 : i32
    %scan3A_10 = arith.addi %scan3A_8, %scan3A_9 : i32
    %scan3A_11 = arith.constant 1 : i32
    scf.for %scan3A_328 = %scan3A_8 to %scan3A_10 step %scan3A_11  : i32 {
      %mul3A_329 = arith.constant 624 : i32
      %mul3A_330 = arith.muli %arg1, %mul3A_329 : i32
      %mul3A_331 = arith.constant 80 : i32
      %mul3A_332 = arith.muli %scan3A_328, %mul3A_331 : i32
      %add3A_333 = arith.addi %mul3A_330, %mul3A_332 : i32
      %run_scoped3A_334 = arith.constant 0 : i32
      "tpu.region"() ({
        %run_scoped3A_335 = tpu.sem_alloc : memref<!tpu.dma_semaphore, #tpu.memory_space<semaphore_mem>>
        %dma_start3A_336 = arith.constant 0 : i32
        %dma_start3A_337 = arith.constant 0 : i32
        %dma_start3A_338 = tpu.memref_slice %arg13[%run_scoped3A_334, %dma_start3A_336, %dma_start3A_337] : memref<2x80x128xf32, #tpu.memory_space<vmem>> -> memref<1x80x128xf32, #tpu.memory_space<vmem>>
        %dma_start3A_339 = tpu.memref_squeeze %dma_start3A_338 : memref<1x80x128xf32, #tpu.memory_space<vmem>> -> memref<80x128xf32, #tpu.memory_space<vmem>>
        %dma_start3A_340 = arith.constant 0 : i32
        %dma_start3A_341 = tpu.memref_slice %arg14[%add3A_333, %dma_start3A_340] : memref<10000x128xf32, #tpu.memory_space<vmem_shared>> -> memref<80x128xf32, #tpu.memory_space<vmem_shared>>
        %dma_start3A_342 = arith.constant 0 : i32
        %dma_start3A_343 = tpu.memref_slice %arg14[%add3A_333, %dma_start3A_342] : memref<10000x128xf32, #tpu.memory_space<vmem_shared>> -> memref<80x128xf32, #tpu.memory_space<vmem_shared>>
        %dma_start3A_344 = arith.constant 0 : i32
        %dma_start3A_345 = arith.constant 0 : i32
        %dma_start3A_346 = tpu.memref_slice %arg13[%run_scoped3A_334, %dma_start3A_344, %dma_start3A_345] : memref<2x80x128xf32, #tpu.memory_space<vmem>> -> memref<1x80x128xf32, #tpu.memory_space<vmem>>
        %dma_start3A_347 = tpu.memref_squeeze %dma_start3A_346 : memref<1x80x128xf32, #tpu.memory_space<vmem>> -> memref<80x128xf32, #tpu.memory_space<vmem>>
        tpu.enqueue_dma source(%dma_start3A_347 : memref<80x128xf32, #tpu.memory_space<vmem>>) target(%dma_start3A_343 : memref<80x128xf32, #tpu.memory_space<vmem_shared>>) target_semaphore(%run_scoped3A_335 : memref<!tpu.dma_semaphore, #tpu.memory_space<semaphore_mem>>)
        %dma_wait3A_348 = arith.constant 0 : i32
        %dma_wait3A_349 = arith.constant 0 : i32
        %dma_wait3A_350 = tpu.memref_slice %arg13[%run_scoped3A_334, %dma_wait3A_348, %dma_wait3A_349] : memref<2x80x128xf32, #tpu.memory_space<vmem>> -> memref<1x80x128xf32, #tpu.memory_space<vmem>>
        %dma_wait3A_351 = tpu.memref_squeeze %dma_wait3A_350 : memref<1x80x128xf32, #tpu.memory_space<vmem>> -> memref<80x128xf32, #tpu.memory_space<vmem>>
        %dma_wait3A_352 = arith.constant 0 : i32
        %dma_wait3A_353 = tpu.memref_slice %arg14[%add3A_333, %dma_wait3A_352] : memref<10000x128xf32, #tpu.memory_space<vmem_shared>> -> memref<80x128xf32, #tpu.memory_space<vmem_shared>>
        %dma_wait3A_354 = arith.constant 0 : i32
        %dma_wait3A_355 = tpu.memref_slice %arg14[%add3A_333, %dma_wait3A_354] : memref<10000x128xf32, #tpu.memory_space<vmem_shared>> -> memref<80x128xf32, #tpu.memory_space<vmem_shared>>
        %dma_wait3A_356 = arith.constant 0 : i32
        %dma_wait3A_357 = arith.constant 0 : i32
        %dma_wait3A_358 = tpu.memref_slice %arg13[%run_scoped3A_334, %dma_wait3A_356, %dma_wait3A_357] : memref<2x80x128xf32, #tpu.memory_space<vmem>> -> memref<1x80x128xf32, #tpu.memory_space<vmem>>
        %dma_wait3A_359 = tpu.memref_squeeze %dma_wait3A_358 : memref<1x80x128xf32, #tpu.memory_space<vmem>> -> memref<80x128xf32, #tpu.memory_space<vmem>>
        tpu.wait_dma2 semaphore(%run_scoped3A_335 : memref<!tpu.dma_semaphore, #tpu.memory_space<semaphore_mem>>) src(%dma_wait3A_359 : memref<80x128xf32, #tpu.memory_space<vmem>>) dst(%dma_wait3A_355 : memref<80x128xf32, #tpu.memory_space<vmem_shared>>)
        tpu.yield
      }) : () -> ()
    }
    %scan3A_12 = arith.constant 7 : i32
    %mul3A_13 = arith.constant 624 : i32
    %mul3A_14 = arith.muli %arg1, %mul3A_13 : i32
    %add3A_15 = arith.constant 560 : i32
    %add3A_16 = arith.addi %mul3A_14, %add3A_15 : i32
    %run_scoped3A = arith.constant 0 : i32
    "tpu.region"() ({
      %run_scoped3A_328 = tpu.sem_alloc : memref<!tpu.dma_semaphore, #tpu.memory_space<semaphore_mem>>
      %dma_start3A_329 = arith.constant 0 : i32
      %dma_start3A_330 = arith.constant 0 : i32
      %dma_start3A_331 = tpu.memref_slice %arg13[%run_scoped3A, %dma_start3A_329, %dma_start3A_330] : memref<2x80x128xf32, #tpu.memory_space<vmem>> -> memref<1x64x128xf32, #tpu.memory_space<vmem>>
      %dma_start3A_332 = tpu.memref_squeeze %dma_start3A_331 : memref<1x64x128xf32, #tpu.memory_space<vmem>> -> memref<64x128xf32, #tpu.memory_space<vmem>>
      %dma_start3A_333 = arith.constant 0 : i32
      %dma_start3A_334 = tpu.memref_slice %arg14[%add3A_16, %dma_start3A_333] : memref<10000x128xf32, #tpu.memory_space<vmem_shared>> -> memref<64x128xf32, #tpu.memory_space<vmem_shared>>
      %dma_start3A_335 = arith.constant 0 : i32
      %dma_start3A_336 = tpu.memref_slice %arg14[%add3A_16, %dma_start3A_335] : memref<10000x128xf32, #tpu.memory_space<vmem_shared>> -> memref<64x128xf32, #tpu.memory_space<vmem_shared>>
      %dma_start3A_337 = arith.constant 0 : i32
      %dma_start3A_338 = arith.constant 0 : i32
      %dma_start3A_339 = tpu.memref_slice %arg13[%run_scoped3A, %dma_start3A_337, %dma_start3A_338] : memref<2x80x128xf32, #tpu.memory_space<vmem>> -> memref<1x64x128xf32, #tpu.memory_space<vmem>>
      %dma_start3A_340 = tpu.memref_squeeze %dma_start3A_339 : memref<1x64x128xf32, #tpu.memory_space<vmem>> -> memref<64x128xf32, #tpu.memory_space<vmem>>
      tpu.enqueue_dma source(%dma_start3A_340 : memref<64x128xf32, #tpu.memory_space<vmem>>) target(%dma_start3A_336 : memref<64x128xf32, #tpu.memory_space<vmem_shared>>) target_semaphore(%run_scoped3A_328 : memref<!tpu.dma_semaphore, #tpu.memory_space<semaphore_mem>>)
      %dma_wait3A_341 = arith.constant 0 : i32
      %dma_wait3A_342 = arith.constant 0 : i32
      %dma_wait3A_343 = tpu.memref_slice %arg13[%run_scoped3A, %dma_wait3A_341, %dma_wait3A_342] : memref<2x80x128xf32, #tpu.memory_space<vmem>> -> memref<1x64x128xf32, #tpu.memory_space<vmem>>
      %dma_wait3A_344 = tpu.memref_squeeze %dma_wait3A_343 : memref<1x64x128xf32, #tpu.memory_space<vmem>> -> memref<64x128xf32, #tpu.memory_space<vmem>>
      %dma_wait3A_345 = arith.constant 0 : i32
      %dma_wait3A_346 = tpu.memref_slice %arg14[%add3A_16, %dma_wait3A_345] : memref<10000x128xf32, #tpu.memory_space<vmem_shared>> -> memref<64x128xf32, #tpu.memory_space<vmem_shared>>
      %dma_wait3A_347 = arith.constant 0 : i32
      %dma_wait3A_348 = tpu.memref_slice %arg14[%add3A_16, %dma_wait3A_347] : memref<10000x128xf32, #tpu.memory_space<vmem_shared>> -> memref<64x128xf32, #tpu.memory_space<vmem_shared>>
      %dma_wait3A_349 = arith.constant 0 : i32
      %dma_wait3A_350 = arith.constant 0 : i32
      %dma_wait3A_351 = tpu.memref_slice %arg13[%run_scoped3A, %dma_wait3A_349, %dma_wait3A_350] : memref<2x80x128xf32, #tpu.memory_space<vmem>> -> memref<1x64x128xf32, #tpu.memory_space<vmem>>
      %dma_wait3A_352 = tpu.memref_squeeze %dma_wait3A_351 : memref<1x64x128xf32, #tpu.memory_space<vmem>> -> memref<64x128xf32, #tpu.memory_space<vmem>>
      tpu.wait_dma2 semaphore(%run_scoped3A_328 : memref<!tpu.dma_semaphore, #tpu.memory_space<semaphore_mem>>) src(%dma_wait3A_352 : memref<64x128xf32, #tpu.memory_space<vmem>>) dst(%dma_wait3A_348 : memref<64x128xf32, #tpu.memory_space<vmem_shared>>)
      tpu.yield
    }) : () -> ()
    %eq3A = arith.constant 15 : i32
    %eq3A_17 = arith.cmpi eq, %arg1, %eq3A : i32
    %convert_element_type3A = arith.extui %eq3A_17 : i1 to i32
    %cond3A = arith.constant 0 : i32
    %cond3A_18 = arith.cmpi ne, %convert_element_type3A, %cond3A : i32
    scf.if %cond3A_18 {
      %run_scoped3A_328 = arith.constant 0 : i32
      "tpu.region"() ({
        %run_scoped3A_329 = tpu.sem_alloc : memref<!tpu.dma_semaphore, #tpu.memory_space<semaphore_mem>>
        %dma_start3A_330 = arith.constant 0 : i32
        %dma_start3A_331 = arith.constant 0 : i32
        %dma_start3A_332 = tpu.memref_slice %arg13[%run_scoped3A_328, %dma_start3A_330, %dma_start3A_331] : memref<2x80x128xf32, #tpu.memory_space<vmem>> -> memref<1x80x128xf32, #tpu.memory_space<vmem>>
        %dma_start3A_333 = tpu.memref_squeeze %dma_start3A_332 : memref<1x80x128xf32, #tpu.memory_space<vmem>> -> memref<80x128xf32, #tpu.memory_space<vmem>>
        %dma_start3A_334 = arith.constant 9920 : i32
        %dma_start3A_335 = arith.constant 0 : i32
        %dma_start3A_336 = tpu.memref_slice %arg14[%dma_start3A_334, %dma_start3A_335] : memref<10000x128xf32, #tpu.memory_space<vmem_shared>> -> memref<80x128xf32, #tpu.memory_space<vmem_shared>>
        %dma_start3A_337 = arith.constant 9920 : i32
        %dma_start3A_338 = arith.constant 0 : i32
        %dma_start3A_339 = tpu.memref_slice %arg14[%dma_start3A_337, %dma_start3A_338] : memref<10000x128xf32, #tpu.memory_space<vmem_shared>> -> memref<80x128xf32, #tpu.memory_space<vmem_shared>>
        %dma_start3A_340 = arith.constant 0 : i32
        %dma_start3A_341 = arith.constant 0 : i32
        %dma_start3A_342 = tpu.memref_slice %arg13[%run_scoped3A_328, %dma_start3A_340, %dma_start3A_341] : memref<2x80x128xf32, #tpu.memory_space<vmem>> -> memref<1x80x128xf32, #tpu.memory_space<vmem>>
        %dma_start3A_343 = tpu.memref_squeeze %dma_start3A_342 : memref<1x80x128xf32, #tpu.memory_space<vmem>> -> memref<80x128xf32, #tpu.memory_space<vmem>>
        tpu.enqueue_dma source(%dma_start3A_343 : memref<80x128xf32, #tpu.memory_space<vmem>>) target(%dma_start3A_339 : memref<80x128xf32, #tpu.memory_space<vmem_shared>>) target_semaphore(%run_scoped3A_329 : memref<!tpu.dma_semaphore, #tpu.memory_space<semaphore_mem>>)
        %dma_wait3A_344 = arith.constant 0 : i32
        %dma_wait3A_345 = arith.constant 0 : i32
        %dma_wait3A_346 = tpu.memref_slice %arg13[%run_scoped3A_328, %dma_wait3A_344, %dma_wait3A_345] : memref<2x80x128xf32, #tpu.memory_space<vmem>> -> memref<1x80x128xf32, #tpu.memory_space<vmem>>
        %dma_wait3A_347 = tpu.memref_squeeze %dma_wait3A_346 : memref<1x80x128xf32, #tpu.memory_space<vmem>> -> memref<80x128xf32, #tpu.memory_space<vmem>>
        %dma_wait3A_348 = arith.constant 9920 : i32
        %dma_wait3A_349 = arith.constant 0 : i32
        %dma_wait3A_350 = tpu.memref_slice %arg14[%dma_wait3A_348, %dma_wait3A_349] : memref<10000x128xf32, #tpu.memory_space<vmem_shared>> -> memref<80x128xf32, #tpu.memory_space<vmem_shared>>
        %dma_wait3A_351 = arith.constant 9920 : i32
        %dma_wait3A_352 = arith.constant 0 : i32
        %dma_wait3A_353 = tpu.memref_slice %arg14[%dma_wait3A_351, %dma_wait3A_352] : memref<10000x128xf32, #tpu.memory_space<vmem_shared>> -> memref<80x128xf32, #tpu.memory_space<vmem_shared>>
        %dma_wait3A_354 = arith.constant 0 : i32
        %dma_wait3A_355 = arith.constant 0 : i32
        %dma_wait3A_356 = tpu.memref_slice %arg13[%run_scoped3A_328, %dma_wait3A_354, %dma_wait3A_355] : memref<2x80x128xf32, #tpu.memory_space<vmem>> -> memref<1x80x128xf32, #tpu.memory_space<vmem>>
        %dma_wait3A_357 = tpu.memref_squeeze %dma_wait3A_356 : memref<1x80x128xf32, #tpu.memory_space<vmem>> -> memref<80x128xf32, #tpu.memory_space<vmem>>
        tpu.wait_dma2 semaphore(%run_scoped3A_329 : memref<!tpu.dma_semaphore, #tpu.memory_space<semaphore_mem>>) src(%dma_wait3A_357 : memref<80x128xf32, #tpu.memory_space<vmem>>) dst(%dma_wait3A_353 : memref<80x128xf32, #tpu.memory_space<vmem_shared>>)
        tpu.yield
      }) : () -> ()
    } else {
    }
    %scan3A_19 = arith.constant 0 : i32
    %scan3A_20 = arith.constant 0 : i32
    %scan3A_21 = arith.constant 5 : i32
    %scan3A_22 = arith.addi %scan3A_20, %scan3A_21 : i32
    %scan3A_23 = arith.constant 1 : i32
    scf.for %scan3A_328 = %scan3A_20 to %scan3A_22 step %scan3A_23  : i32 {
      %mul3A_329 = arith.constant 640 : i32
      %mul3A_330 = arith.muli %arg1, %mul3A_329 : i32
      %mul3A_331 = arith.constant 128 : i32
      %mul3A_332 = arith.muli %scan3A_328, %mul3A_331 : i32
      %add3A_333 = arith.addi %mul3A_330, %mul3A_332 : i32
      %run_scoped3A_334 = arith.constant 0 : i32
      %run_scoped3A_335 = arith.constant 0 : i32
      "tpu.region"() ({
        %run_scoped3A_336 = tpu.sem_alloc : memref<!tpu.dma_semaphore, #tpu.memory_space<semaphore_mem>>
        %dma_start3A_337 = arith.constant 0 : i32
        %dma_start3A_338 = tpu.memref_slice %arg13[%run_scoped3A_334, %run_scoped3A_335, %dma_start3A_337] : memref<2x80x128xf32, #tpu.memory_space<vmem>> -> memref<1x1x128xf32, #tpu.memory_space<vmem>>
        %dma_start3A_339 = tpu.memref_squeeze %dma_start3A_338 : memref<1x1x128xf32, #tpu.memory_space<vmem>> -> memref<128xf32, #tpu.memory_space<vmem>>
        %dma_start3A_340 = tpu.memref_slice %arg15[%add3A_333] : memref<10240xf32, #tpu.memory_space<vmem_shared>> -> memref<128xf32, #tpu.memory_space<vmem_shared>>
        %dma_start3A_341 = tpu.memref_slice %arg15[%add3A_333] : memref<10240xf32, #tpu.memory_space<vmem_shared>> -> memref<128xf32, #tpu.memory_space<vmem_shared>>
        %dma_start3A_342 = arith.constant 0 : i32
        %dma_start3A_343 = tpu.memref_slice %arg13[%run_scoped3A_334, %run_scoped3A_335, %dma_start3A_342] : memref<2x80x128xf32, #tpu.memory_space<vmem>> -> memref<1x1x128xf32, #tpu.memory_space<vmem>>
        %dma_start3A_344 = tpu.memref_squeeze %dma_start3A_343 : memref<1x1x128xf32, #tpu.memory_space<vmem>> -> memref<128xf32, #tpu.memory_space<vmem>>
        tpu.enqueue_dma source(%dma_start3A_344 : memref<128xf32, #tpu.memory_space<vmem>>) target(%dma_start3A_341 : memref<128xf32, #tpu.memory_space<vmem_shared>>) target_semaphore(%run_scoped3A_336 : memref<!tpu.dma_semaphore, #tpu.memory_space<semaphore_mem>>)
        %dma_wait3A_345 = arith.constant 0 : i32
        %dma_wait3A_346 = tpu.memref_slice %arg13[%run_scoped3A_334, %run_scoped3A_335, %dma_wait3A_345] : memref<2x80x128xf32, #tpu.memory_space<vmem>> -> memref<1x1x128xf32, #tpu.memory_space<vmem>>
        %dma_wait3A_347 = tpu.memref_squeeze %dma_wait3A_346 : memref<1x1x128xf32, #tpu.memory_space<vmem>> -> memref<128xf32, #tpu.memory_space<vmem>>
        %dma_wait3A_348 = tpu.memref_slice %arg15[%add3A_333] : memref<10240xf32, #tpu.memory_space<vmem_shared>> -> memref<128xf32, #tpu.memory_space<vmem_shared>>
        %dma_wait3A_349 = tpu.memref_slice %arg15[%add3A_333] : memref<10240xf32, #tpu.memory_space<vmem_shared>> -> memref<128xf32, #tpu.memory_space<vmem_shared>>
        %dma_wait3A_350 = arith.constant 0 : i32
        %dma_wait3A_351 = tpu.memref_slice %arg13[%run_scoped3A_334, %run_scoped3A_335, %dma_wait3A_350] : memref<2x80x128xf32, #tpu.memory_space<vmem>> -> memref<1x1x128xf32, #tpu.memory_space<vmem>>
        %dma_wait3A_352 = tpu.memref_squeeze %dma_wait3A_351 : memref<1x1x128xf32, #tpu.memory_space<vmem>> -> memref<128xf32, #tpu.memory_space<vmem>>
        tpu.wait_dma2 semaphore(%run_scoped3A_336 : memref<!tpu.dma_semaphore, #tpu.memory_space<semaphore_mem>>) src(%dma_wait3A_352 : memref<128xf32, #tpu.memory_space<vmem>>) dst(%dma_wait3A_349 : memref<128xf32, #tpu.memory_space<vmem_shared>>)
        tpu.yield
      }) : () -> ()
    }
    %scan3A_24 = arith.constant 5 : i32
    tpu.wait_dma2 semaphore(%arg16 : memref<!tpu.dma_semaphore, #tpu.memory_space<semaphore_mem>>) src(%arg3 : memref<10000xf32, #tpu.memory_space<hbm>>) dst(%arg8 : memref<10000xf32, #tpu.memory_space<vmem>>)
    tpu.wait_dma2 semaphore(%arg16 : memref<!tpu.dma_semaphore, #tpu.memory_space<semaphore_mem>>) src(%arg4 : memref<10000xf32, #tpu.memory_space<hbm>>) dst(%arg9 : memref<10000xf32, #tpu.memory_space<vmem>>)
    %barrier3A = arith.constant 0 : index
    tpu.barrier barrier_id(%barrier3A)
    %rem3A = arith.constant 0 : i32
    %rem3A_25 = arith.constant 4 : i32
    %rem3A_26 = arith.remsi %rem3A, %rem3A_25 : i32
    %dma_start3A = arith.constant 0 : i32
    %dma_start3A_27 = arith.constant 0 : i32
    %dma_start3A_28 = arith.constant 0 : i32
    %dma_start3A_29 = tpu.memref_slice %arg10[%rem3A_26, %dma_start3A_28] : memref<4x80xi32, #tpu.memory_space<vmem>> -> memref<1x80xi32, #tpu.memory_space<vmem>>
    %dma_start3A_30 = tpu.memref_squeeze %dma_start3A_29 : memref<1x80xi32, #tpu.memory_space<vmem>> -> memref<80xi32, #tpu.memory_space<vmem>>
    %dma_start3A_31 = arith.constant 0 : i32
    %dma_start3A_32 = tpu.memref_slice %arg5[%dma_start3A, %add3A, %dma_start3A_27, %dma_start3A_31] : memref<2x32x125x80xi32, #tpu.memory_space<hbm>> -> memref<1x1x1x80xi32, #tpu.memory_space<hbm>>
    %dma_start3A_33 = tpu.memref_squeeze %dma_start3A_32 : memref<1x1x1x80xi32, #tpu.memory_space<hbm>> -> memref<80xi32, #tpu.memory_space<hbm>>
    %dma_start3A_34 = arith.constant 0 : i32
    %dma_start3A_35 = tpu.memref_slice %arg10[%rem3A_26, %dma_start3A_34] : memref<4x80xi32, #tpu.memory_space<vmem>> -> memref<1x80xi32, #tpu.memory_space<vmem>>
    %dma_start3A_36 = tpu.memref_squeeze %dma_start3A_35 : memref<1x80xi32, #tpu.memory_space<vmem>> -> memref<80xi32, #tpu.memory_space<vmem>>
    %dma_start3A_37 = arith.constant 0 : i32
    %dma_start3A_38 = tpu.memref_slice %arg5[%dma_start3A, %add3A, %dma_start3A_27, %dma_start3A_37] : memref<2x32x125x80xi32, #tpu.memory_space<hbm>> -> memref<1x1x1x80xi32, #tpu.memory_space<hbm>>
    %dma_start3A_39 = tpu.memref_squeeze %dma_start3A_38 : memref<1x1x1x80xi32, #tpu.memory_space<hbm>> -> memref<80xi32, #tpu.memory_space<hbm>>
    tpu.enqueue_dma source(%dma_start3A_39 : memref<80xi32, #tpu.memory_space<hbm>>) target(%dma_start3A_36 : memref<80xi32, #tpu.memory_space<vmem>>) target_semaphore(%arg16 : memref<!tpu.dma_semaphore, #tpu.memory_space<semaphore_mem>>)
    %dma_start3A_40 = arith.constant 1 : i32
    %dma_start3A_41 = arith.constant 0 : i32
    %dma_start3A_42 = arith.constant 0 : i32
    %dma_start3A_43 = tpu.memref_slice %arg11[%rem3A_26, %dma_start3A_42] : memref<4x80xi32, #tpu.memory_space<vmem>> -> memref<1x80xi32, #tpu.memory_space<vmem>>
    %dma_start3A_44 = tpu.memref_squeeze %dma_start3A_43 : memref<1x80xi32, #tpu.memory_space<vmem>> -> memref<80xi32, #tpu.memory_space<vmem>>
    %dma_start3A_45 = arith.constant 0 : i32
    %dma_start3A_46 = tpu.memref_slice %arg5[%dma_start3A_40, %add3A, %dma_start3A_41, %dma_start3A_45] : memref<2x32x125x80xi32, #tpu.memory_space<hbm>> -> memref<1x1x1x80xi32, #tpu.memory_space<hbm>>
    %dma_start3A_47 = tpu.memref_squeeze %dma_start3A_46 : memref<1x1x1x80xi32, #tpu.memory_space<hbm>> -> memref<80xi32, #tpu.memory_space<hbm>>
    %dma_start3A_48 = arith.constant 0 : i32
    %dma_start3A_49 = tpu.memref_slice %arg11[%rem3A_26, %dma_start3A_48] : memref<4x80xi32, #tpu.memory_space<vmem>> -> memref<1x80xi32, #tpu.memory_space<vmem>>
    %dma_start3A_50 = tpu.memref_squeeze %dma_start3A_49 : memref<1x80xi32, #tpu.memory_space<vmem>> -> memref<80xi32, #tpu.memory_space<vmem>>
    %dma_start3A_51 = arith.constant 0 : i32
    %dma_start3A_52 = tpu.memref_slice %arg5[%dma_start3A_40, %add3A, %dma_start3A_41, %dma_start3A_51] : memref<2x32x125x80xi32, #tpu.memory_space<hbm>> -> memref<1x1x1x80xi32, #tpu.memory_space<hbm>>
    %dma_start3A_53 = tpu.memref_squeeze %dma_start3A_52 : memref<1x1x1x80xi32, #tpu.memory_space<hbm>> -> memref<80xi32, #tpu.memory_space<hbm>>
    tpu.enqueue_dma source(%dma_start3A_53 : memref<80xi32, #tpu.memory_space<hbm>>) target(%dma_start3A_50 : memref<80xi32, #tpu.memory_space<vmem>>) target_semaphore(%arg16 : memref<!tpu.dma_semaphore, #tpu.memory_space<semaphore_mem>>)
    %rem3A_54 = arith.constant 0 : i32
    %rem3A_55 = arith.constant 4 : i32
    %rem3A_56 = arith.remsi %rem3A_54, %rem3A_55 : i32
    %dma_wait3A = arith.constant 0 : i32
    %dma_wait3A_57 = arith.constant 0 : i32
    %dma_wait3A_58 = arith.constant 0 : i32
    %dma_wait3A_59 = tpu.memref_slice %arg10[%rem3A_56, %dma_wait3A_58] : memref<4x80xi32, #tpu.memory_space<vmem>> -> memref<1x80xi32, #tpu.memory_space<vmem>>
    %dma_wait3A_60 = tpu.memref_squeeze %dma_wait3A_59 : memref<1x80xi32, #tpu.memory_space<vmem>> -> memref<80xi32, #tpu.memory_space<vmem>>
    %dma_wait3A_61 = arith.constant 0 : i32
    %dma_wait3A_62 = tpu.memref_slice %arg5[%dma_wait3A, %add3A, %dma_wait3A_57, %dma_wait3A_61] : memref<2x32x125x80xi32, #tpu.memory_space<hbm>> -> memref<1x1x1x80xi32, #tpu.memory_space<hbm>>
    %dma_wait3A_63 = tpu.memref_squeeze %dma_wait3A_62 : memref<1x1x1x80xi32, #tpu.memory_space<hbm>> -> memref<80xi32, #tpu.memory_space<hbm>>
    %dma_wait3A_64 = arith.constant 0 : i32
    %dma_wait3A_65 = tpu.memref_slice %arg10[%rem3A_56, %dma_wait3A_64] : memref<4x80xi32, #tpu.memory_space<vmem>> -> memref<1x80xi32, #tpu.memory_space<vmem>>
    %dma_wait3A_66 = tpu.memref_squeeze %dma_wait3A_65 : memref<1x80xi32, #tpu.memory_space<vmem>> -> memref<80xi32, #tpu.memory_space<vmem>>
    %dma_wait3A_67 = arith.constant 0 : i32
    %dma_wait3A_68 = tpu.memref_slice %arg5[%dma_wait3A, %add3A, %dma_wait3A_57, %dma_wait3A_67] : memref<2x32x125x80xi32, #tpu.memory_space<hbm>> -> memref<1x1x1x80xi32, #tpu.memory_space<hbm>>
    %dma_wait3A_69 = tpu.memref_squeeze %dma_wait3A_68 : memref<1x1x1x80xi32, #tpu.memory_space<hbm>> -> memref<80xi32, #tpu.memory_space<hbm>>
    tpu.wait_dma2 semaphore(%arg16 : memref<!tpu.dma_semaphore, #tpu.memory_space<semaphore_mem>>) src(%dma_wait3A_69 : memref<80xi32, #tpu.memory_space<hbm>>) dst(%dma_wait3A_66 : memref<80xi32, #tpu.memory_space<vmem>>)
    %dma_wait3A_70 = arith.constant 1 : i32
    %dma_wait3A_71 = arith.constant 0 : i32
    %dma_wait3A_72 = arith.constant 0 : i32
    %dma_wait3A_73 = tpu.memref_slice %arg11[%rem3A_56, %dma_wait3A_72] : memref<4x80xi32, #tpu.memory_space<vmem>> -> memref<1x80xi32, #tpu.memory_space<vmem>>
    %dma_wait3A_74 = tpu.memref_squeeze %dma_wait3A_73 : memref<1x80xi32, #tpu.memory_space<vmem>> -> memref<80xi32, #tpu.memory_space<vmem>>
    %dma_wait3A_75 = arith.constant 0 : i32
    %dma_wait3A_76 = tpu.memref_slice %arg5[%dma_wait3A_70, %add3A, %dma_wait3A_71, %dma_wait3A_75] : memref<2x32x125x80xi32, #tpu.memory_space<hbm>> -> memref<1x1x1x80xi32, #tpu.memory_space<hbm>>
    %dma_wait3A_77 = tpu.memref_squeeze %dma_wait3A_76 : memref<1x1x1x80xi32, #tpu.memory_space<hbm>> -> memref<80xi32, #tpu.memory_space<hbm>>
    %dma_wait3A_78 = arith.constant 0 : i32
    %dma_wait3A_79 = tpu.memref_slice %arg11[%rem3A_56, %dma_wait3A_78] : memref<4x80xi32, #tpu.memory_space<vmem>> -> memref<1x80xi32, #tpu.memory_space<vmem>>
    %dma_wait3A_80 = tpu.memref_squeeze %dma_wait3A_79 : memref<1x80xi32, #tpu.memory_space<vmem>> -> memref<80xi32, #tpu.memory_space<vmem>>
    %dma_wait3A_81 = arith.constant 0 : i32
    %dma_wait3A_82 = tpu.memref_slice %arg5[%dma_wait3A_70, %add3A, %dma_wait3A_71, %dma_wait3A_81] : memref<2x32x125x80xi32, #tpu.memory_space<hbm>> -> memref<1x1x1x80xi32, #tpu.memory_space<hbm>>
    %dma_wait3A_83 = tpu.memref_squeeze %dma_wait3A_82 : memref<1x1x1x80xi32, #tpu.memory_space<hbm>> -> memref<80xi32, #tpu.memory_space<hbm>>
    tpu.wait_dma2 semaphore(%arg16 : memref<!tpu.dma_semaphore, #tpu.memory_space<semaphore_mem>>) src(%dma_wait3A_83 : memref<80xi32, #tpu.memory_space<hbm>>) dst(%dma_wait3A_80 : memref<80xi32, #tpu.memory_space<vmem>>)
    %rem3A_84 = arith.constant 0 : i32
    %rem3A_85 = arith.constant 4 : i32
    %rem3A_86 = arith.remsi %rem3A_84, %rem3A_85 : i32
    %rem3A_87 = arith.constant 0 : i32
    %rem3A_88 = arith.constant 2 : i32
    %rem3A_89 = arith.remsi %rem3A_87, %rem3A_88 : i32
    %dma_start3A_90 = arith.constant 0 : i32
    %dma_start3A_91 = arith.constant 0 : i32
    %dma_start3A_92 = tpu.memref_slice %arg13[%rem3A_89, %dma_start3A_90, %dma_start3A_91] : memref<2x80x128xf32, #tpu.memory_space<vmem>> -> memref<1x80x128xf32, #tpu.memory_space<vmem>>
    %dma_start3A_93 = tpu.memref_squeeze %dma_start3A_92 : memref<1x80x128xf32, #tpu.memory_space<vmem>> -> memref<80x128xf32, #tpu.memory_space<vmem>>
    %dma_start3A_94 = arith.constant 0 : i32
    %dma_start3A_95 = tpu.memref_slice %arg10[%rem3A_86, %dma_start3A_94] : memref<4x80xi32, #tpu.memory_space<vmem>> -> memref<1x80xi32, #tpu.memory_space<vmem>>
    %dma_start3A_96 = tpu.memref_squeeze %dma_start3A_95 : memref<1x80xi32, #tpu.memory_space<vmem>> -> memref<80xi32, #tpu.memory_space<vmem>>
    %dma_start3A_97 = arith.constant 0 : i32
    %dma_start3A_98 = arith.constant 0 : i32
    %dma_start3A_99 = tpu.memref_slice %arg2[%dma_start3A_97, %dma_start3A_98] : memref<10000x128xf32, #tpu.memory_space<hbm>> -> memref<10000x128xf32, #tpu.memory_space<hbm>>
    tpu.enqueue_indirect_dma source(%dma_start3A_99 : memref<10000x128xf32, #tpu.memory_space<hbm>>) target(%dma_start3A_93 : memref<80x128xf32, #tpu.memory_space<vmem>>) offsets(%dma_start3A_96 : memref<80xi32, #tpu.memory_space<vmem>>) semaphore(%arg17 : memref<!tpu.dma_semaphore, #tpu.memory_space<semaphore_mem>>)
    %get3A = arith.constant 0 : i32
    %get3A_100 = arith.constant 0 : i32
    %get3A_101 = tpu.memref_slice %arg10[%get3A, %get3A_100] : memref<4x80xi32, #tpu.memory_space<vmem>> -> memref<1x80xi32, #tpu.memory_space<vmem>>
    %get3A_102 = tpu.memref_squeeze %get3A_101 : memref<1x80xi32, #tpu.memory_space<vmem>> -> memref<80xi32, #tpu.memory_space<vmem>>
    %get3A_103 = arith.constant 0 : index
    %get3A_104 = tpu.vector_load %get3A_102[%get3A_103] {strides = array<i32>} : memref<80xi32, #tpu.memory_space<vmem>>, vector<16xi32>,
    %get3A_105 = arith.constant 0 : i32
    %get3A_106 = arith.constant 0 : i32
    %get3A_107 = tpu.memref_slice %arg11[%get3A_105, %get3A_106] : memref<4x80xi32, #tpu.memory_space<vmem>> -> memref<1x80xi32, #tpu.memory_space<vmem>>
    %get3A_108 = tpu.memref_squeeze %get3A_107 : memref<1x80xi32, #tpu.memory_space<vmem>> -> memref<80xi32, #tpu.memory_space<vmem>>
    %get3A_109 = arith.constant 0 : index
    %get3A_110 = tpu.vector_load %get3A_108[%get3A_109] {strides = array<i32>} : memref<80xi32, #tpu.memory_space<vmem>>, vector<16xi32>,
    %gather3A = tpu.vector_load_idx %arg8[%get3A_104] : memref<10000xf32, #tpu.memory_space<vmem>>[vector<16xi32>], vector<16xf32>,
    %gather3A_111 = tpu.vector_load_idx %arg9[%get3A_110] : memref<10000xf32, #tpu.memory_space<vmem>>[vector<16xi32>], vector<16xf32>,
    %add3A_112 = arith.addf %gather3A, %gather3A_111 : vector<16xf32>
    %gt3A = arith.constant 0.000000e+00 : f32
    %gt3A_113 = vector.broadcast %gt3A : f32 to vector<16xf32>
    %gt3A_114 = arith.cmpf ogt, %add3A_112, %gt3A_113 : vector<16xf32>
    %mul3A_115 = arith.constant 2.000000e-01 : f32
    %mul3A_116 = vector.broadcast %mul3A_115 : f32 to vector<16xf32>
    %mul3A_117 = arith.mulf %mul3A_116, %add3A_112 : vector<16xf32>
    %select_n3A = arith.select %gt3A_114, %add3A_112, %mul3A_117 : vector<16xi1>, vector<16xf32>
    %exp3A = math.exp %select_n3A : vector<16xf32>
    %swap3A = arith.constant 0 : i32
    %swap3A_118 = arith.constant 0 : i32
    %swap3A_119 = tpu.memref_slice %arg12[%swap3A, %swap3A_118] : memref<4x80xf32, #tpu.memory_space<vmem>> -> memref<1x80xf32, #tpu.memory_space<vmem>>
    %swap3A_120 = tpu.memref_squeeze %swap3A_119 : memref<1x80xf32, #tpu.memory_space<vmem>> -> memref<80xf32, #tpu.memory_space<vmem>>
    %swap3A_121 = arith.constant 0 : index
    %swap3A_122 = tpu.vector_load %swap3A_120[%swap3A_121] {strides = array<i32>} : memref<80xf32, #tpu.memory_space<vmem>>, vector<16xf32>,
    tpu.vector_store %swap3A_120[%swap3A_121], %exp3A {strides = array<i32>} : memref<80xf32, #tpu.memory_space<vmem>>, vector<16xf32>,
    %get3A_123 = arith.constant 0 : i32
    %get3A_124 = arith.constant 0 : i32
    %get3A_125 = tpu.memref_slice %arg10[%get3A_123, %get3A_124] : memref<4x80xi32, #tpu.memory_space<vmem>> -> memref<1x80xi32, #tpu.memory_space<vmem>>
    %get3A_126 = tpu.memref_squeeze %get3A_125 : memref<1x80xi32, #tpu.memory_space<vmem>> -> memref<80xi32, #tpu.memory_space<vmem>>
    %get3A_127 = arith.constant 16 : index
    %get3A_128 = tpu.vector_load %get3A_126[%get3A_127] {strides = array<i32>} : memref<80xi32, #tpu.memory_space<vmem>>, vector<16xi32>,
    %get3A_129 = arith.constant 0 : i32
    %get3A_130 = arith.constant 0 : i32
    %get3A_131 = tpu.memref_slice %arg11[%get3A_129, %get3A_130] : memref<4x80xi32, #tpu.memory_space<vmem>> -> memref<1x80xi32, #tpu.memory_space<vmem>>
    %get3A_132 = tpu.memref_squeeze %get3A_131 : memref<1x80xi32, #tpu.memory_space<vmem>> -> memref<80xi32, #tpu.memory_space<vmem>>
    %get3A_133 = arith.constant 16 : index
    %get3A_134 = tpu.vector_load %get3A_132[%get3A_133] {strides = array<i32>} : memref<80xi32, #tpu.memory_space<vmem>>, vector<16xi32>,
    %gather3A_135 = tpu.vector_load_idx %arg8[%get3A_128] : memref<10000xf32, #tpu.memory_space<vmem>>[vector<16xi32>], vector<16xf32>,
    %gather3A_136 = tpu.vector_load_idx %arg9[%get3A_134] : memref<10000xf32, #tpu.memory_space<vmem>>[vector<16xi32>], vector<16xf32>,
    %add3A_137 = arith.addf %gather3A_135, %gather3A_136 : vector<16xf32>
    %gt3A_138 = arith.constant 0.000000e+00 : f32
    %gt3A_139 = vector.broadcast %gt3A_138 : f32 to vector<16xf32>
    %gt3A_140 = arith.cmpf ogt, %add3A_137, %gt3A_139 : vector<16xf32>
    %mul3A_141 = arith.constant 2.000000e-01 : f32
    %mul3A_142 = vector.broadcast %mul3A_141 : f32 to vector<16xf32>
    %mul3A_143 = arith.mulf %mul3A_142, %add3A_137 : vector<16xf32>
    %select_n3A_144 = arith.select %gt3A_140, %add3A_137, %mul3A_143 : vector<16xi1>, vector<16xf32>
    %exp3A_145 = math.exp %select_n3A_144 : vector<16xf32>
    %swap3A_146 = arith.constant 0 : i32
    %swap3A_147 = arith.constant 0 : i32
    %swap3A_148 = tpu.memref_slice %arg12[%swap3A_146, %swap3A_147] : memref<4x80xf32, #tpu.memory_space<vmem>> -> memref<1x80xf32, #tpu.memory_space<vmem>>
    %swap3A_149 = tpu.memref_squeeze %swap3A_148 : memref<1x80xf32, #tpu.memory_space<vmem>> -> memref<80xf32, #tpu.memory_space<vmem>>
    %swap3A_150 = arith.constant 16 : index
    %swap3A_151 = tpu.vector_load %swap3A_149[%swap3A_150] {strides = array<i32>} : memref<80xf32, #tpu.memory_space<vmem>>, vector<16xf32>,
    tpu.vector_store %swap3A_149[%swap3A_150], %exp3A_145 {strides = array<i32>} : memref<80xf32, #tpu.memory_space<vmem>>, vector<16xf32>,
    %get3A_152 = arith.constant 0 : i32
    %get3A_153 = arith.constant 0 : i32
    %get3A_154 = tpu.memref_slice %arg10[%get3A_152, %get3A_153] : memref<4x80xi32, #tpu.memory_space<vmem>> -> memref<1x80xi32, #tpu.memory_space<vmem>>
    %get3A_155 = tpu.memref_squeeze %get3A_154 : memref<1x80xi32, #tpu.memory_space<vmem>> -> memref<80xi32, #tpu.memory_space<vmem>>
    %get3A_156 = arith.constant 32 : index
    %get3A_157 = tpu.vector_load %get3A_155[%get3A_156] {strides = array<i32>} : memref<80xi32, #tpu.memory_space<vmem>>, vector<16xi32>,
    %get3A_158 = arith.constant 0 : i32
    %get3A_159 = arith.constant 0 : i32
    %get3A_160 = tpu.memref_slice %arg11[%get3A_158, %get3A_159] : memref<4x80xi32, #tpu.memory_space<vmem>> -> memref<1x80xi32, #tpu.memory_space<vmem>>
    %get3A_161 = tpu.memref_squeeze %get3A_160 : memref<1x80xi32, #tpu.memory_space<vmem>> -> memref<80xi32, #tpu.memory_space<vmem>>
    %get3A_162 = arith.constant 32 : index
    %get3A_163 = tpu.vector_load %get3A_161[%get3A_162] {strides = array<i32>} : memref<80xi32, #tpu.memory_space<vmem>>, vector<16xi32>,
    %gather3A_164 = tpu.vector_load_idx %arg8[%get3A_157] : memref<10000xf32, #tpu.memory_space<vmem>>[vector<16xi32>], vector<16xf32>,
    %gather3A_165 = tpu.vector_load_idx %arg9[%get3A_163] : memref<10000xf32, #tpu.memory_space<vmem>>[vector<16xi32>], vector<16xf32>,
    %add3A_166 = arith.addf %gather3A_164, %gather3A_165 : vector<16xf32>
    %gt3A_167 = arith.constant 0.000000e+00 : f32
    %gt3A_168 = vector.broadcast %gt3A_167 : f32 to vector<16xf32>
    %gt3A_169 = arith.cmpf ogt, %add3A_166, %gt3A_168 : vector<16xf32>
    %mul3A_170 = arith.constant 2.000000e-01 : f32
    %mul3A_171 = vector.broadcast %mul3A_170 : f32 to vector<16xf32>
    %mul3A_172 = arith.mulf %mul3A_171, %add3A_166 : vector<16xf32>
    %select_n3A_173 = arith.select %gt3A_169, %add3A_166, %mul3A_172 : vector<16xi1>, vector<16xf32>
    %exp3A_174 = math.exp %select_n3A_173 : vector<16xf32>
    %swap3A_175 = arith.constant 0 : i32
    %swap3A_176 = arith.constant 0 : i32
    %swap3A_177 = tpu.memref_slice %arg12[%swap3A_175, %swap3A_176] : memref<4x80xf32, #tpu.memory_space<vmem>> -> memref<1x80xf32, #tpu.memory_space<vmem>>
    %swap3A_178 = tpu.memref_squeeze %swap3A_177 : memref<1x80xf32, #tpu.memory_space<vmem>> -> memref<80xf32, #tpu.memory_space<vmem>>
    %swap3A_179 = arith.constant 32 : index
    %swap3A_180 = tpu.vector_load %swap3A_178[%swap3A_179] {strides = array<i32>} : memref<80xf32, #tpu.memory_space<vmem>>, vector<16xf32>,
    tpu.vector_store %swap3A_178[%swap3A_179], %exp3A_174 {strides = array<i32>} : memref<80xf32, #tpu.memory_space<vmem>>, vector<16xf32>,
    %get3A_181 = arith.constant 0 : i32
    %get3A_182 = arith.constant 0 : i32
    %get3A_183 = tpu.memref_slice %arg10[%get3A_181, %get3A_182] : memref<4x80xi32, #tpu.memory_space<vmem>> -> memref<1x80xi32, #tpu.memory_space<vmem>>
    %get3A_184 = tpu.memref_squeeze %get3A_183 : memref<1x80xi32, #tpu.memory_space<vmem>> -> memref<80xi32, #tpu.memory_space<vmem>>
    %get3A_185 = arith.constant 48 : index
    %get3A_186 = tpu.vector_load %get3A_184[%get3A_185] {strides = array<i32>} : memref<80xi32, #tpu.memory_space<vmem>>, vector<16xi32>,
    %get3A_187 = arith.constant 0 : i32
    %get3A_188 = arith.constant 0 : i32
    %get3A_189 = tpu.memref_slice %arg11[%get3A_187, %get3A_188] : memref<4x80xi32, #tpu.memory_space<vmem>> -> memref<1x80xi32, #tpu.memory_space<vmem>>
    %get3A_190 = tpu.memref_squeeze %get3A_189 : memref<1x80xi32, #tpu.memory_space<vmem>> -> memref<80xi32, #tpu.memory_space<vmem>>
    %get3A_191 = arith.constant 48 : index
    %get3A_192 = tpu.vector_load %get3A_190[%get3A_191] {strides = array<i32>} : memref<80xi32, #tpu.memory_space<vmem>>, vector<16xi32>,
    %gather3A_193 = tpu.vector_load_idx %arg8[%get3A_186] : memref<10000xf32, #tpu.memory_space<vmem>>[vector<16xi32>], vector<16xf32>,
    %gather3A_194 = tpu.vector_load_idx %arg9[%get3A_192] : memref<10000xf32, #tpu.memory_space<vmem>>[vector<16xi32>], vector<16xf32>,
    %add3A_195 = arith.addf %gather3A_193, %gather3A_194 : vector<16xf32>
    %gt3A_196 = arith.constant 0.000000e+00 : f32
    %gt3A_197 = vector.broadcast %gt3A_196 : f32 to vector<16xf32>
    %gt3A_198 = arith.cmpf ogt, %add3A_195, %gt3A_197 : vector<16xf32>
    %mul3A_199 = arith.constant 2.000000e-01 : f32
    %mul3A_200 = vector.broadcast %mul3A_199 : f32 to vector<16xf32>
    %mul3A_201 = arith.mulf %mul3A_200, %add3A_195 : vector<16xf32>
    %select_n3A_202 = arith.select %gt3A_198, %add3A_195, %mul3A_201 : vector<16xi1>, vector<16xf32>
    %exp3A_203 = math.exp %select_n3A_202 : vector<16xf32>
    %swap3A_204 = arith.constant 0 : i32
    %swap3A_205 = arith.constant 0 : i32
    %swap3A_206 = tpu.memref_slice %arg12[%swap3A_204, %swap3A_205] : memref<4x80xf32, #tpu.memory_space<vmem>> -> memref<1x80xf32, #tpu.memory_space<vmem>>
    %swap3A_207 = tpu.memref_squeeze %swap3A_206 : memref<1x80xf32, #tpu.memory_space<vmem>> -> memref<80xf32, #tpu.memory_space<vmem>>
    %swap3A_208 = arith.constant 48 : index
    %swap3A_209 = tpu.vector_load %swap3A_207[%swap3A_208] {strides = array<i32>} : memref<80xf32, #tpu.memory_space<vmem>>, vector<16xf32>,
    tpu.vector_store %swap3A_207[%swap3A_208], %exp3A_203 {strides = array<i32>} : memref<80xf32, #tpu.memory_space<vmem>>, vector<16xf32>,
    %get3A_210 = arith.constant 0 : i32
    %get3A_211 = arith.constant 0 : i32
    %get3A_212 = tpu.memref_slice %arg10[%get3A_210, %get3A_211] : memref<4x80xi32, #tpu.memory_space<vmem>> -> memref<1x80xi32, #tpu.memory_space<vmem>>
    %get3A_213 = tpu.memref_squeeze %get3A_212 : memref<1x80xi32, #tpu.memory_space<vmem>> -> memref<80xi32, #tpu.memory_space<vmem>>
    %get3A_214 = arith.constant 64 : index
    %get3A_215 = tpu.vector_load %get3A_213[%get3A_214] {strides = array<i32>} : memref<80xi32, #tpu.memory_space<vmem>>, vector<16xi32>,
    %get3A_216 = arith.constant 0 : i32
    %get3A_217 = arith.constant 0 : i32
    %get3A_218 = tpu.memref_slice %arg11[%get3A_216, %get3A_217] : memref<4x80xi32, #tpu.memory_space<vmem>> -> memref<1x80xi32, #tpu.memory_space<vmem>>
    %get3A_219 = tpu.memref_squeeze %get3A_218 : memref<1x80xi32, #tpu.memory_space<vmem>> -> memref<80xi32, #tpu.memory_space<vmem>>
    %get3A_220 = arith.constant 64 : index
    %get3A_221 = tpu.vector_load %get3A_219[%get3A_220] {strides = array<i32>} : memref<80xi32, #tpu.memory_space<vmem>>, vector<16xi32>,
    %gather3A_222 = tpu.vector_load_idx %arg8[%get3A_215] : memref<10000xf32, #tpu.memory_space<vmem>>[vector<16xi32>], vector<16xf32>,
    %gather3A_223 = tpu.vector_load_idx %arg9[%get3A_221] : memref<10000xf32, #tpu.memory_space<vmem>>[vector<16xi32>], vector<16xf32>,
    %add3A_224 = arith.addf %gather3A_222, %gather3A_223 : vector<16xf32>
    %gt3A_225 = arith.constant 0.000000e+00 : f32
    %gt3A_226 = vector.broadcast %gt3A_225 : f32 to vector<16xf32>
    %gt3A_227 = arith.cmpf ogt, %add3A_224, %gt3A_226 : vector<16xf32>
    %mul3A_228 = arith.constant 2.000000e-01 : f32
    %mul3A_229 = vector.broadcast %mul3A_228 : f32 to vector<16xf32>
    %mul3A_230 = arith.mulf %mul3A_229, %add3A_224 : vector<16xf32>
    %select_n3A_231 = arith.select %gt3A_227, %add3A_224, %mul3A_230 : vector<16xi1>, vector<16xf32>
    %exp3A_232 = math.exp %select_n3A_231 : vector<16xf32>
    %swap3A_233 = arith.constant 0 : i32
    %swap3A_234 = arith.constant 0 : i32
    %swap3A_235 = tpu.memref_slice %arg12[%swap3A_233, %swap3A_234] : memref<4x80xf32, #tpu.memory_space<vmem>> -> memref<1x80xf32, #tpu.memory_space<vmem>>
    %swap3A_236 = tpu.memref_squeeze %swap3A_235 : memref<1x80xf32, #tpu.memory_space<vmem>> -> memref<80xf32, #tpu.memory_space<vmem>>
    %swap3A_237 = arith.constant 64 : index
    %swap3A_238 = tpu.vector_load %swap3A_236[%swap3A_237] {strides = array<i32>} : memref<80xf32, #tpu.memory_space<vmem>>, vector<16xf32>,
    tpu.vector_store %swap3A_236[%swap3A_237], %exp3A_232 {strides = array<i32>} : memref<80xf32, #tpu.memory_space<vmem>>, vector<16xf32>,
    %rem3A_239 = arith.constant 0 : i32
    %rem3A_240 = arith.constant 4 : i32
    %rem3A_241 = arith.remsi %rem3A_239, %rem3A_240 : i32
    %dma_start3A_242 = arith.constant 0 : i32
    %dma_start3A_243 = tpu.memref_slice %arg12[%rem3A_241, %dma_start3A_242] : memref<4x80xf32, #tpu.memory_space<vmem>> -> memref<1x80xf32, #tpu.memory_space<vmem>>
    %dma_start3A_244 = tpu.memref_squeeze %dma_start3A_243 : memref<1x80xf32, #tpu.memory_space<vmem>> -> memref<80xf32, #tpu.memory_space<vmem>>
    %dma_start3A_245 = arith.constant 0 : i32
    %dma_start3A_246 = tpu.memref_slice %arg11[%rem3A_241, %dma_start3A_245] : memref<4x80xi32, #tpu.memory_space<vmem>> -> memref<1x80xi32, #tpu.memory_space<vmem>>
    %dma_start3A_247 = tpu.memref_squeeze %dma_start3A_246 : memref<1x80xi32, #tpu.memory_space<vmem>> -> memref<80xi32, #tpu.memory_space<vmem>>
    %dma_start3A_248 = arith.constant 0 : i32
    %dma_start3A_249 = tpu.memref_slice %arg15[%dma_start3A_248] : memref<10240xf32, #tpu.memory_space<vmem_shared>> -> memref<10240xf32, #tpu.memory_space<vmem_shared>>
    tpu.enqueue_indirect_dma source(%dma_start3A_244 : memref<80xf32, #tpu.memory_space<vmem>>) target(%dma_start3A_249 : memref<10240xf32, #tpu.memory_space<vmem_shared>>) offsets(%dma_start3A_247 : memref<80xi32, #tpu.memory_space<vmem>>) semaphore(%arg18 : memref<!tpu.dma_semaphore, #tpu.memory_space<semaphore_mem>>) {add = true}
    %rem3A_250 = arith.constant 1 : i32
    %rem3A_251 = arith.constant 4 : i32
    %rem3A_252 = arith.remsi %rem3A_250, %rem3A_251 : i32
    %dma_start3A_253 = arith.constant 0 : i32
    %dma_start3A_254 = arith.constant 1 : i32
    %dma_start3A_255 = arith.constant 0 : i32
    %dma_start3A_256 = tpu.memref_slice %arg10[%rem3A_252, %dma_start3A_255] : memref<4x80xi32, #tpu.memory_space<vmem>> -> memref<1x80xi32, #tpu.memory_space<vmem>>
    %dma_start3A_257 = tpu.memref_squeeze %dma_start3A_256 : memref<1x80xi32, #tpu.memory_space<vmem>> -> memref<80xi32, #tpu.memory_space<vmem>>
    %dma_start3A_258 = arith.constant 0 : i32
    %dma_start3A_259 = tpu.memref_slice %arg5[%dma_start3A_253, %add3A, %dma_start3A_254, %dma_start3A_258] : memref<2x32x125x80xi32, #tpu.memory_space<hbm>> -> memref<1x1x1x80xi32, #tpu.memory_space<hbm>>
    %dma_start3A_260 = tpu.memref_squeeze %dma_start3A_259 : memref<1x1x1x80xi32, #tpu.memory_space<hbm>> -> memref<80xi32, #tpu.memory_space<hbm>>
    %dma_start3A_261 = arith.constant 0 : i32
    %dma_start3A_262 = tpu.memref_slice %arg10[%rem3A_252, %dma_start3A_261] : memref<4x80xi32, #tpu.memory_space<vmem>> -> memref<1x80xi32, #tpu.memory_space<vmem>>
    %dma_start3A_263 = tpu.memref_squeeze %dma_start3A_262 : memref<1x80xi32, #tpu.memory_space<vmem>> -> memref<80xi32, #tpu.memory_space<vmem>>
    %dma_start3A_264 = arith.constant 0 : i32
    %dma_start3A_265 = tpu.memref_slice %arg5[%dma_start3A_253, %add3A, %dma_start3A_254, %dma_start3A_264] : memref<2x32x125x80xi32, #tpu.memory_space<hbm>> -> memref<1x1x1x80xi32, #tpu.memory_space<hbm>>
    %dma_start3A_266 = tpu.memref_squeeze %dma_start3A_265 : memref<1x1x1x80xi32, #tpu.memory_space<hbm>> -> memref<80xi32, #tpu.memory_space<hbm>>
    tpu.enqueue_dma source(%dma_start3A_266 : memref<80xi32, #tpu.memory_space<hbm>>) target(%dma_start3A_263 : memref<80xi32, #tpu.memory_space<vmem>>) target_semaphore(%arg16 : memref<!tpu.dma_semaphore, #tpu.memory_space<semaphore_mem>>)
    %dma_start3A_267 = arith.constant 1 : i32
    %dma_start3A_268 = arith.constant 1 : i32
    %dma_start3A_269 = arith.constant 0 : i32
    %dma_start3A_270 = tpu.memref_slice %arg11[%rem3A_252, %dma_start3A_269] : memref<4x80xi32, #tpu.memory_space<vmem>> -> memref<1x80xi32, #tpu.memory_space<vmem>>
    %dma_start3A_271 = tpu.memref_squeeze %dma_start3A_270 : memref<1x80xi32, #tpu.memory_space<vmem>> -> memref<80xi32, #tpu.memory_space<vmem>>
    %dma_start3A_272 = arith.constant 0 : i32
    %dma_start3A_273 = tpu.memref_slice %arg5[%dma_start3A_267, %add3A, %dma_start3A_268, %dma_start3A_272] : memref<2x32x125x80xi32, #tpu.memory_space<hbm>> -> memref<1x1x1x80xi32, #tpu.memory_space<hbm>>
    %dma_start3A_274 = tpu.memref_squeeze %dma_start3A_273 : memref<1x1x1x80xi32, #tpu.memory_space<hbm>> -> memref<80xi32, #tpu.memory_space<hbm>>
    %dma_start3A_275 = arith.constant 0 : i32
    %dma_start3A_276 = tpu.memref_slice %arg11[%rem3A_252, %dma_start3A_275] : memref<4x80xi32, #tpu.memory_space<vmem>> -> memref<1x80xi32, #tpu.memory_space<vmem>>
    %dma_start3A_277 = tpu.memref_squeeze %dma_start3A_276 : memref<1x80xi32, #tpu.memory_space<vmem>> -> memref<80xi32, #tpu.memory_space<vmem>>
    %dma_start3A_278 = arith.constant 0 : i32
    %dma_start3A_279 = tpu.memref_slice %arg5[%dma_start3A_267, %add3A, %dma_start3A_268, %dma_start3A_278] : memref<2x32x125x80xi32, #tpu.memory_space<hbm>> -> memref<1x1x1x80xi32, #tpu.memory_space<hbm>>
    %dma_start3A_280 = tpu.memref_squeeze %dma_start3A_279 : memref<1x1x1x80xi32, #tpu.memory_space<hbm>> -> memref<80xi32, #tpu.memory_space<hbm>>
    tpu.enqueue_dma source(%dma_start3A_280 : memref<80xi32, #tpu.memory_space<hbm>>) target(%dma_start3A_277 : memref<80xi32, #tpu.memory_space<vmem>>) target_semaphore(%arg16 : memref<!tpu.dma_semaphore, #tpu.memory_space<semaphore_mem>>)
    %scan3A_281 = arith.constant 0 : i32
    %scan3A_282 = arith.constant 0 : i32
    %scan3A_283 = arith.constant 125 : i32
    %scan3A_284 = arith.addi %scan3A_282, %scan3A_283 : i32
    %scan3A_285 = arith.constant 1 : i32
    scf.for %scan3A_328 = %scan3A_282 to %scan3A_284 step %scan3A_285  : i32 {
      %lt3A_329 = arith.constant 124 : i32
      %lt3A_330 = arith.cmpi slt, %scan3A_328, %lt3A_329 : i32
      %convert_element_type3A_331 = arith.extui %lt3A_330 : i1 to i32
      %cond3A_332 = arith.constant 0 : i32
      %cond3A_333 = arith.cmpi ne, %convert_element_type3A_331, %cond3A_332 : i32
      scf.if %cond3A_333 {
        %add3A_389 = arith.constant 1 : i32
        %add3A_390 = arith.addi %scan3A_328, %add3A_389 : i32
        %rem3A_391 = arith.constant 4 : i32
        %rem3A_392 = arith.remsi %add3A_390, %rem3A_391 : i32
        %dma_wait3A_393 = arith.constant 0 : i32
        %dma_wait3A_394 = arith.constant 0 : i32
        %dma_wait3A_395 = tpu.memref_slice %arg10[%rem3A_392, %dma_wait3A_394] : memref<4x80xi32, #tpu.memory_space<vmem>> -> memref<1x80xi32, #tpu.memory_space<vmem>>
        %dma_wait3A_396 = tpu.memref_squeeze %dma_wait3A_395 : memref<1x80xi32, #tpu.memory_space<vmem>> -> memref<80xi32, #tpu.memory_space<vmem>>
        %dma_wait3A_397 = arith.constant 0 : i32
        %dma_wait3A_398 = tpu.memref_slice %arg5[%dma_wait3A_393, %add3A, %add3A_390, %dma_wait3A_397] : memref<2x32x125x80xi32, #tpu.memory_space<hbm>> -> memref<1x1x1x80xi32, #tpu.memory_space<hbm>>
        %dma_wait3A_399 = tpu.memref_squeeze %dma_wait3A_398 : memref<1x1x1x80xi32, #tpu.memory_space<hbm>> -> memref<80xi32, #tpu.memory_space<hbm>>
        %dma_wait3A_400 = arith.constant 0 : i32
        %dma_wait3A_401 = tpu.memref_slice %arg10[%rem3A_392, %dma_wait3A_400] : memref<4x80xi32, #tpu.memory_space<vmem>> -> memref<1x80xi32, #tpu.memory_space<vmem>>
        %dma_wait3A_402 = tpu.memref_squeeze %dma_wait3A_401 : memref<1x80xi32, #tpu.memory_space<vmem>> -> memref<80xi32, #tpu.memory_space<vmem>>
        %dma_wait3A_403 = arith.constant 0 : i32
        %dma_wait3A_404 = tpu.memref_slice %arg5[%dma_wait3A_393, %add3A, %add3A_390, %dma_wait3A_403] : memref<2x32x125x80xi32, #tpu.memory_space<hbm>> -> memref<1x1x1x80xi32, #tpu.memory_space<hbm>>
        %dma_wait3A_405 = tpu.memref_squeeze %dma_wait3A_404 : memref<1x1x1x80xi32, #tpu.memory_space<hbm>> -> memref<80xi32, #tpu.memory_space<hbm>>
        tpu.wait_dma2 semaphore(%arg16 : memref<!tpu.dma_semaphore, #tpu.memory_space<semaphore_mem>>) src(%dma_wait3A_405 : memref<80xi32, #tpu.memory_space<hbm>>) dst(%dma_wait3A_402 : memref<80xi32, #tpu.memory_space<vmem>>)
        %dma_wait3A_406 = arith.constant 1 : i32
        %dma_wait3A_407 = arith.constant 0 : i32
        %dma_wait3A_408 = tpu.memref_slice %arg11[%rem3A_392, %dma_wait3A_407] : memref<4x80xi32, #tpu.memory_space<vmem>> -> memref<1x80xi32, #tpu.memory_space<vmem>>
        %dma_wait3A_409 = tpu.memref_squeeze %dma_wait3A_408 : memref<1x80xi32, #tpu.memory_space<vmem>> -> memref<80xi32, #tpu.memory_space<vmem>>
        %dma_wait3A_410 = arith.constant 0 : i32
        %dma_wait3A_411 = tpu.memref_slice %arg5[%dma_wait3A_406, %add3A, %add3A_390, %dma_wait3A_410] : memref<2x32x125x80xi32, #tpu.memory_space<hbm>> -> memref<1x1x1x80xi32, #tpu.memory_space<hbm>>
        %dma_wait3A_412 = tpu.memref_squeeze %dma_wait3A_411 : memref<1x1x1x80xi32, #tpu.memory_space<hbm>> -> memref<80xi32, #tpu.memory_space<hbm>>
        %dma_wait3A_413 = arith.constant 0 : i32
        %dma_wait3A_414 = tpu.memref_slice %arg11[%rem3A_392, %dma_wait3A_413] : memref<4x80xi32, #tpu.memory_space<vmem>> -> memref<1x80xi32, #tpu.memory_space<vmem>>
        %dma_wait3A_415 = tpu.memref_squeeze %dma_wait3A_414 : memref<1x80xi32, #tpu.memory_space<vmem>> -> memref<80xi32, #tpu.memory_space<vmem>>
        %dma_wait3A_416 = arith.constant 0 : i32
        %dma_wait3A_417 = tpu.memref_slice %arg5[%dma_wait3A_406, %add3A, %add3A_390, %dma_wait3A_416] : memref<2x32x125x80xi32, #tpu.memory_space<hbm>> -> memref<1x1x1x80xi32, #tpu.memory_space<hbm>>
        %dma_wait3A_418 = tpu.memref_squeeze %dma_wait3A_417 : memref<1x1x1x80xi32, #tpu.memory_space<hbm>> -> memref<80xi32, #tpu.memory_space<hbm>>
        tpu.wait_dma2 semaphore(%arg16 : memref<!tpu.dma_semaphore, #tpu.memory_space<semaphore_mem>>) src(%dma_wait3A_418 : memref<80xi32, #tpu.memory_space<hbm>>) dst(%dma_wait3A_415 : memref<80xi32, #tpu.memory_space<vmem>>)
        %add3A_419 = arith.constant 1 : i32
        %add3A_420 = arith.addi %scan3A_328, %add3A_419 : i32
        %add3A_421 = arith.constant 1 : i32
        %add3A_422 = arith.addi %scan3A_328, %add3A_421 : i32
        %rem3A_423 = arith.constant 4 : i32
        %rem3A_424 = arith.remsi %add3A_422, %rem3A_423 : i32
        %get3A_425 = arith.constant 0 : i32
        %get3A_426 = tpu.memref_slice %arg10[%rem3A_424, %get3A_425] : memref<4x80xi32, #tpu.memory_space<vmem>> -> memref<1x80xi32, #tpu.memory_space<vmem>>
        %get3A_427 = tpu.memref_squeeze %get3A_426 : memref<1x80xi32, #tpu.memory_space<vmem>> -> memref<80xi32, #tpu.memory_space<vmem>>
        %get3A_428 = arith.constant 0 : index
        %get3A_429 = tpu.vector_load %get3A_427[%get3A_428] {strides = array<i32>} : memref<80xi32, #tpu.memory_space<vmem>>, vector<16xi32>,
        %get3A_430 = arith.constant 0 : i32
        %get3A_431 = tpu.memref_slice %arg11[%rem3A_424, %get3A_430] : memref<4x80xi32, #tpu.memory_space<vmem>> -> memref<1x80xi32, #tpu.memory_space<vmem>>
        %get3A_432 = tpu.memref_squeeze %get3A_431 : memref<1x80xi32, #tpu.memory_space<vmem>> -> memref<80xi32, #tpu.memory_space<vmem>>
        %get3A_433 = arith.constant 0 : index
        %get3A_434 = tpu.vector_load %get3A_432[%get3A_433] {strides = array<i32>} : memref<80xi32, #tpu.memory_space<vmem>>, vector<16xi32>,
        %gather3A_435 = tpu.vector_load_idx %arg8[%get3A_429] : memref<10000xf32, #tpu.memory_space<vmem>>[vector<16xi32>], vector<16xf32>,
        %gather3A_436 = tpu.vector_load_idx %arg9[%get3A_434] : memref<10000xf32, #tpu.memory_space<vmem>>[vector<16xi32>], vector<16xf32>,
        %add3A_437 = arith.addf %gather3A_435, %gather3A_436 : vector<16xf32>
        %gt3A_438 = arith.constant 0.000000e+00 : f32
        %gt3A_439 = vector.broadcast %gt3A_438 : f32 to vector<16xf32>
        %gt3A_440 = arith.cmpf ogt, %add3A_437, %gt3A_439 : vector<16xf32>
        %mul3A_441 = arith.constant 2.000000e-01 : f32
        %mul3A_442 = vector.broadcast %mul3A_441 : f32 to vector<16xf32>
        %mul3A_443 = arith.mulf %mul3A_442, %add3A_437 : vector<16xf32>
        %select_n3A_444 = arith.select %gt3A_440, %add3A_437, %mul3A_443 : vector<16xi1>, vector<16xf32>
        %exp3A_445 = math.exp %select_n3A_444 : vector<16xf32>
        %swap3A_446 = arith.constant 0 : i32
        %swap3A_447 = tpu.memref_slice %arg12[%rem3A_424, %swap3A_446] : memref<4x80xf32, #tpu.memory_space<vmem>> -> memref<1x80xf32, #tpu.memory_space<vmem>>
        %swap3A_448 = tpu.memref_squeeze %swap3A_447 : memref<1x80xf32, #tpu.memory_space<vmem>> -> memref<80xf32, #tpu.memory_space<vmem>>
        %swap3A_449 = arith.constant 0 : index
        %swap3A_450 = tpu.vector_load %swap3A_448[%swap3A_449] {strides = array<i32>} : memref<80xf32, #tpu.memory_space<vmem>>, vector<16xf32>,
        tpu.vector_store %swap3A_448[%swap3A_449], %exp3A_445 {strides = array<i32>} : memref<80xf32, #tpu.memory_space<vmem>>, vector<16xf32>,
        %get3A_451 = arith.constant 0 : i32
        %get3A_452 = tpu.memref_slice %arg10[%rem3A_424, %get3A_451] : memref<4x80xi32, #tpu.memory_space<vmem>> -> memref<1x80xi32, #tpu.memory_space<vmem>>
        %get3A_453 = tpu.memref_squeeze %get3A_452 : memref<1x80xi32, #tpu.memory_space<vmem>> -> memref<80xi32, #tpu.memory_space<vmem>>
        %get3A_454 = arith.constant 16 : index
        %get3A_455 = tpu.vector_load %get3A_453[%get3A_454] {strides = array<i32>} : memref<80xi32, #tpu.memory_space<vmem>>, vector<16xi32>,
        %get3A_456 = arith.constant 0 : i32
        %get3A_457 = tpu.memref_slice %arg11[%rem3A_424, %get3A_456] : memref<4x80xi32, #tpu.memory_space<vmem>> -> memref<1x80xi32, #tpu.memory_space<vmem>>
        %get3A_458 = tpu.memref_squeeze %get3A_457 : memref<1x80xi32, #tpu.memory_space<vmem>> -> memref<80xi32, #tpu.memory_space<vmem>>
        %get3A_459 = arith.constant 16 : index
        %get3A_460 = tpu.vector_load %get3A_458[%get3A_459] {strides = array<i32>} : memref<80xi32, #tpu.memory_space<vmem>>, vector<16xi32>,
        %gather3A_461 = tpu.vector_load_idx %arg8[%get3A_455] : memref<10000xf32, #tpu.memory_space<vmem>>[vector<16xi32>], vector<16xf32>,
        %gather3A_462 = tpu.vector_load_idx %arg9[%get3A_460] : memref<10000xf32, #tpu.memory_space<vmem>>[vector<16xi32>], vector<16xf32>,
        %add3A_463 = arith.addf %gather3A_461, %gather3A_462 : vector<16xf32>
        %gt3A_464 = arith.constant 0.000000e+00 : f32
        %gt3A_465 = vector.broadcast %gt3A_464 : f32 to vector<16xf32>
        %gt3A_466 = arith.cmpf ogt, %add3A_463, %gt3A_465 : vector<16xf32>
        %mul3A_467 = arith.constant 2.000000e-01 : f32
        %mul3A_468 = vector.broadcast %mul3A_467 : f32 to vector<16xf32>
        %mul3A_469 = arith.mulf %mul3A_468, %add3A_463 : vector<16xf32>
        %select_n3A_470 = arith.select %gt3A_466, %add3A_463, %mul3A_469 : vector<16xi1>, vector<16xf32>
        %exp3A_471 = math.exp %select_n3A_470 : vector<16xf32>
        %swap3A_472 = arith.constant 0 : i32
        %swap3A_473 = tpu.memref_slice %arg12[%rem3A_424, %swap3A_472] : memref<4x80xf32, #tpu.memory_space<vmem>> -> memref<1x80xf32, #tpu.memory_space<vmem>>
        %swap3A_474 = tpu.memref_squeeze %swap3A_473 : memref<1x80xf32, #tpu.memory_space<vmem>> -> memref<80xf32, #tpu.memory_space<vmem>>
        %swap3A_475 = arith.constant 16 : index
        %swap3A_476 = tpu.vector_load %swap3A_474[%swap3A_475] {strides = array<i32>} : memref<80xf32, #tpu.memory_space<vmem>>, vector<16xf32>,
        tpu.vector_store %swap3A_474[%swap3A_475], %exp3A_471 {strides = array<i32>} : memref<80xf32, #tpu.memory_space<vmem>>, vector<16xf32>,
        %get3A_477 = arith.constant 0 : i32
        %get3A_478 = tpu.memref_slice %arg10[%rem3A_424, %get3A_477] : memref<4x80xi32, #tpu.memory_space<vmem>> -> memref<1x80xi32, #tpu.memory_space<vmem>>
        %get3A_479 = tpu.memref_squeeze %get3A_478 : memref<1x80xi32, #tpu.memory_space<vmem>> -> memref<80xi32, #tpu.memory_space<vmem>>
        %get3A_480 = arith.constant 32 : index
        %get3A_481 = tpu.vector_load %get3A_479[%get3A_480] {strides = array<i32>} : memref<80xi32, #tpu.memory_space<vmem>>, vector<16xi32>,
        %get3A_482 = arith.constant 0 : i32
        %get3A_483 = tpu.memref_slice %arg11[%rem3A_424, %get3A_482] : memref<4x80xi32, #tpu.memory_space<vmem>> -> memref<1x80xi32, #tpu.memory_space<vmem>>
        %get3A_484 = tpu.memref_squeeze %get3A_483 : memref<1x80xi32, #tpu.memory_space<vmem>> -> memref<80xi32, #tpu.memory_space<vmem>>
        %get3A_485 = arith.constant 32 : index
        %get3A_486 = tpu.vector_load %get3A_484[%get3A_485] {strides = array<i32>} : memref<80xi32, #tpu.memory_space<vmem>>, vector<16xi32>,
        %gather3A_487 = tpu.vector_load_idx %arg8[%get3A_481] : memref<10000xf32, #tpu.memory_space<vmem>>[vector<16xi32>], vector<16xf32>,
        %gather3A_488 = tpu.vector_load_idx %arg9[%get3A_486] : memref<10000xf32, #tpu.memory_space<vmem>>[vector<16xi32>], vector<16xf32>,
        %add3A_489 = arith.addf %gather3A_487, %gather3A_488 : vector<16xf32>
        %gt3A_490 = arith.constant 0.000000e+00 : f32
        %gt3A_491 = vector.broadcast %gt3A_490 : f32 to vector<16xf32>
        %gt3A_492 = arith.cmpf ogt, %add3A_489, %gt3A_491 : vector<16xf32>
        %mul3A_493 = arith.constant 2.000000e-01 : f32
        %mul3A_494 = vector.broadcast %mul3A_493 : f32 to vector<16xf32>
        %mul3A_495 = arith.mulf %mul3A_494, %add3A_489 : vector<16xf32>
        %select_n3A_496 = arith.select %gt3A_492, %add3A_489, %mul3A_495 : vector<16xi1>, vector<16xf32>
        %exp3A_497 = math.exp %select_n3A_496 : vector<16xf32>
        %swap3A_498 = arith.constant 0 : i32
        %swap3A_499 = tpu.memref_slice %arg12[%rem3A_424, %swap3A_498] : memref<4x80xf32, #tpu.memory_space<vmem>> -> memref<1x80xf32, #tpu.memory_space<vmem>>
        %swap3A_500 = tpu.memref_squeeze %swap3A_499 : memref<1x80xf32, #tpu.memory_space<vmem>> -> memref<80xf32, #tpu.memory_space<vmem>>
        %swap3A_501 = arith.constant 32 : index
        %swap3A_502 = tpu.vector_load %swap3A_500[%swap3A_501] {strides = array<i32>} : memref<80xf32, #tpu.memory_space<vmem>>, vector<16xf32>,
        tpu.vector_store %swap3A_500[%swap3A_501], %exp3A_497 {strides = array<i32>} : memref<80xf32, #tpu.memory_space<vmem>>, vector<16xf32>,
        %get3A_503 = arith.constant 0 : i32
        %get3A_504 = tpu.memref_slice %arg10[%rem3A_424, %get3A_503] : memref<4x80xi32, #tpu.memory_space<vmem>> -> memref<1x80xi32, #tpu.memory_space<vmem>>
        %get3A_505 = tpu.memref_squeeze %get3A_504 : memref<1x80xi32, #tpu.memory_space<vmem>> -> memref<80xi32, #tpu.memory_space<vmem>>
        %get3A_506 = arith.constant 48 : index
        %get3A_507 = tpu.vector_load %get3A_505[%get3A_506] {strides = array<i32>} : memref<80xi32, #tpu.memory_space<vmem>>, vector<16xi32>,
        %get3A_508 = arith.constant 0 : i32
        %get3A_509 = tpu.memref_slice %arg11[%rem3A_424, %get3A_508] : memref<4x80xi32, #tpu.memory_space<vmem>> -> memref<1x80xi32, #tpu.memory_space<vmem>>
        %get3A_510 = tpu.memref_squeeze %get3A_509 : memref<1x80xi32, #tpu.memory_space<vmem>> -> memref<80xi32, #tpu.memory_space<vmem>>
        %get3A_511 = arith.constant 48 : index
        %get3A_512 = tpu.vector_load %get3A_510[%get3A_511] {strides = array<i32>} : memref<80xi32, #tpu.memory_space<vmem>>, vector<16xi32>,
        %gather3A_513 = tpu.vector_load_idx %arg8[%get3A_507] : memref<10000xf32, #tpu.memory_space<vmem>>[vector<16xi32>], vector<16xf32>,
        %gather3A_514 = tpu.vector_load_idx %arg9[%get3A_512] : memref<10000xf32, #tpu.memory_space<vmem>>[vector<16xi32>], vector<16xf32>,
        %add3A_515 = arith.addf %gather3A_513, %gather3A_514 : vector<16xf32>
        %gt3A_516 = arith.constant 0.000000e+00 : f32
        %gt3A_517 = vector.broadcast %gt3A_516 : f32 to vector<16xf32>
        %gt3A_518 = arith.cmpf ogt, %add3A_515, %gt3A_517 : vector<16xf32>
        %mul3A_519 = arith.constant 2.000000e-01 : f32
        %mul3A_520 = vector.broadcast %mul3A_519 : f32 to vector<16xf32>
        %mul3A_521 = arith.mulf %mul3A_520, %add3A_515 : vector<16xf32>
        %select_n3A_522 = arith.select %gt3A_518, %add3A_515, %mul3A_521 : vector<16xi1>, vector<16xf32>
        %exp3A_523 = math.exp %select_n3A_522 : vector<16xf32>
        %swap3A_524 = arith.constant 0 : i32
        %swap3A_525 = tpu.memref_slice %arg12[%rem3A_424, %swap3A_524] : memref<4x80xf32, #tpu.memory_space<vmem>> -> memref<1x80xf32, #tpu.memory_space<vmem>>
        %swap3A_526 = tpu.memref_squeeze %swap3A_525 : memref<1x80xf32, #tpu.memory_space<vmem>> -> memref<80xf32, #tpu.memory_space<vmem>>
        %swap3A_527 = arith.constant 48 : index
        %swap3A_528 = tpu.vector_load %swap3A_526[%swap3A_527] {strides = array<i32>} : memref<80xf32, #tpu.memory_space<vmem>>, vector<16xf32>,
        tpu.vector_store %swap3A_526[%swap3A_527], %exp3A_523 {strides = array<i32>} : memref<80xf32, #tpu.memory_space<vmem>>, vector<16xf32>,
        %get3A_529 = arith.constant 0 : i32
        %get3A_530 = tpu.memref_slice %arg10[%rem3A_424, %get3A_529] : memref<4x80xi32, #tpu.memory_space<vmem>> -> memref<1x80xi32, #tpu.memory_space<vmem>>
        %get3A_531 = tpu.memref_squeeze %get3A_530 : memref<1x80xi32, #tpu.memory_space<vmem>> -> memref<80xi32, #tpu.memory_space<vmem>>
        %get3A_532 = arith.constant 64 : index
        %get3A_533 = tpu.vector_load %get3A_531[%get3A_532] {strides = array<i32>} : memref<80xi32, #tpu.memory_space<vmem>>, vector<16xi32>,
        %get3A_534 = arith.constant 0 : i32
        %get3A_535 = tpu.memref_slice %arg11[%rem3A_424, %get3A_534] : memref<4x80xi32, #tpu.memory_space<vmem>> -> memref<1x80xi32, #tpu.memory_space<vmem>>
        %get3A_536 = tpu.memref_squeeze %get3A_535 : memref<1x80xi32, #tpu.memory_space<vmem>> -> memref<80xi32, #tpu.memory_space<vmem>>
        %get3A_537 = arith.constant 64 : index
        %get3A_538 = tpu.vector_load %get3A_536[%get3A_537] {strides = array<i32>} : memref<80xi32, #tpu.memory_space<vmem>>, vector<16xi32>,
        %gather3A_539 = tpu.vector_load_idx %arg8[%get3A_533] : memref<10000xf32, #tpu.memory_space<vmem>>[vector<16xi32>], vector<16xf32>,
        %gather3A_540 = tpu.vector_load_idx %arg9[%get3A_538] : memref<10000xf32, #tpu.memory_space<vmem>>[vector<16xi32>], vector<16xf32>,
        %add3A_541 = arith.addf %gather3A_539, %gather3A_540 : vector<16xf32>
        %gt3A_542 = arith.constant 0.000000e+00 : f32
        %gt3A_543 = vector.broadcast %gt3A_542 : f32 to vector<16xf32>
        %gt3A_544 = arith.cmpf ogt, %add3A_541, %gt3A_543 : vector<16xf32>
        %mul3A_545 = arith.constant 2.000000e-01 : f32
        %mul3A_546 = vector.broadcast %mul3A_545 : f32 to vector<16xf32>
        %mul3A_547 = arith.mulf %mul3A_546, %add3A_541 : vector<16xf32>
        %select_n3A_548 = arith.select %gt3A_544, %add3A_541, %mul3A_547 : vector<16xi1>, vector<16xf32>
        %exp3A_549 = math.exp %select_n3A_548 : vector<16xf32>
        %swap3A_550 = arith.constant 0 : i32
        %swap3A_551 = tpu.memref_slice %arg12[%rem3A_424, %swap3A_550] : memref<4x80xf32, #tpu.memory_space<vmem>> -> memref<1x80xf32, #tpu.memory_space<vmem>>
        %swap3A_552 = tpu.memref_squeeze %swap3A_551 : memref<1x80xf32, #tpu.memory_space<vmem>> -> memref<80xf32, #tpu.memory_space<vmem>>
        %swap3A_553 = arith.constant 64 : index
        %swap3A_554 = tpu.vector_load %swap3A_552[%swap3A_553] {strides = array<i32>} : memref<80xf32, #tpu.memory_space<vmem>>, vector<16xf32>,
        tpu.vector_store %swap3A_552[%swap3A_553], %exp3A_549 {strides = array<i32>} : memref<80xf32, #tpu.memory_space<vmem>>, vector<16xf32>,
      } else {
      }
      %ge3A = arith.constant 1 : i32
      %ge3A_334 = arith.cmpi sge, %scan3A_328, %ge3A : i32
      %convert_element_type3A_335 = arith.extui %ge3A_334 : i1 to i32
      %cond3A_336 = arith.constant 0 : i32
      %cond3A_337 = arith.cmpi ne, %convert_element_type3A_335, %cond3A_336 : i32
      scf.if %cond3A_337 {
        %sub3A = arith.constant 1 : i32
        %sub3A_389 = arith.subi %scan3A_328, %sub3A : i32
        %rem3A_390 = arith.constant 4 : i32
        %rem3A_391 = arith.remsi %sub3A_389, %rem3A_390 : i32
        %rem3A_392 = arith.constant 2 : i32
        %rem3A_393 = arith.remsi %sub3A_389, %rem3A_392 : i32
        %dma_wait3A_394 = arith.constant 0 : i32
        %dma_wait3A_395 = arith.constant 0 : i32
        %dma_wait3A_396 = tpu.memref_slice %arg13[%rem3A_393, %dma_wait3A_394, %dma_wait3A_395] : memref<2x80x128xf32, #tpu.memory_space<vmem>> -> memref<1x80x128xf32, #tpu.memory_space<vmem>>
        %dma_wait3A_397 = tpu.memref_squeeze %dma_wait3A_396 : memref<1x80x128xf32, #tpu.memory_space<vmem>> -> memref<80x128xf32, #tpu.memory_space<vmem>>
        %dma_wait3A_398 = arith.constant 0 : i32
        %dma_wait3A_399 = tpu.memref_slice %arg11[%rem3A_391, %dma_wait3A_398] : memref<4x80xi32, #tpu.memory_space<vmem>> -> memref<1x80xi32, #tpu.memory_space<vmem>>
        %dma_wait3A_400 = tpu.memref_squeeze %dma_wait3A_399 : memref<1x80xi32, #tpu.memory_space<vmem>> -> memref<80xi32, #tpu.memory_space<vmem>>
        %dma_wait3A_401 = arith.constant 0 : i32
        %dma_wait3A_402 = arith.constant 0 : i32
        %dma_wait3A_403 = tpu.memref_slice %arg14[%dma_wait3A_401, %dma_wait3A_402] : memref<10000x128xf32, #tpu.memory_space<vmem_shared>> -> memref<10000x128xf32, #tpu.memory_space<vmem_shared>>
        tpu.wait_indirect_dma semaphore(%arg19 : memref<!tpu.dma_semaphore, #tpu.memory_space<semaphore_mem>>) src(%dma_wait3A_397 : memref<80x128xf32, #tpu.memory_space<vmem>>) dst(%dma_wait3A_403 : memref<10000x128xf32, #tpu.memory_space<vmem_shared>>)
        %sub3A_404 = arith.constant 1 : i32
        %sub3A_405 = arith.subi %scan3A_328, %sub3A_404 : i32
        %rem3A_406 = arith.constant 4 : i32
        %rem3A_407 = arith.remsi %sub3A_405, %rem3A_406 : i32
        %dma_wait3A_408 = arith.constant 0 : i32
        %dma_wait3A_409 = tpu.memref_slice %arg12[%rem3A_407, %dma_wait3A_408] : memref<4x80xf32, #tpu.memory_space<vmem>> -> memref<1x80xf32, #tpu.memory_space<vmem>>
        %dma_wait3A_410 = tpu.memref_squeeze %dma_wait3A_409 : memref<1x80xf32, #tpu.memory_space<vmem>> -> memref<80xf32, #tpu.memory_space<vmem>>
        %dma_wait3A_411 = arith.constant 0 : i32
        %dma_wait3A_412 = tpu.memref_slice %arg11[%rem3A_407, %dma_wait3A_411] : memref<4x80xi32, #tpu.memory_space<vmem>> -> memref<1x80xi32, #tpu.memory_space<vmem>>
        %dma_wait3A_413 = tpu.memref_squeeze %dma_wait3A_412 : memref<1x80xi32, #tpu.memory_space<vmem>> -> memref<80xi32, #tpu.memory_space<vmem>>
        %dma_wait3A_414 = arith.constant 0 : i32
        %dma_wait3A_415 = tpu.memref_slice %arg15[%dma_wait3A_414] : memref<10240xf32, #tpu.memory_space<vmem_shared>> -> memref<10240xf32, #tpu.memory_space<vmem_shared>>
        tpu.wait_indirect_dma semaphore(%arg18 : memref<!tpu.dma_semaphore, #tpu.memory_space<semaphore_mem>>) src(%dma_wait3A_410 : memref<80xf32, #tpu.memory_space<vmem>>) dst(%dma_wait3A_415 : memref<10240xf32, #tpu.memory_space<vmem_shared>>)
      } else {
      }
      %lt3A_338 = arith.constant 124 : i32
      %lt3A_339 = arith.cmpi slt, %scan3A_328, %lt3A_338 : i32
      %convert_element_type3A_340 = arith.extui %lt3A_339 : i1 to i32
      %cond3A_341 = arith.constant 0 : i32
      %cond3A_342 = arith.cmpi ne, %convert_element_type3A_340, %cond3A_341 : i32
      scf.if %cond3A_342 {
        %add3A_389 = arith.constant 1 : i32
        %add3A_390 = arith.addi %scan3A_328, %add3A_389 : i32
        %rem3A_391 = arith.constant 4 : i32
        %rem3A_392 = arith.remsi %add3A_390, %rem3A_391 : i32
        %rem3A_393 = arith.constant 2 : i32
        %rem3A_394 = arith.remsi %add3A_390, %rem3A_393 : i32
        %dma_start3A_395 = arith.constant 0 : i32
        %dma_start3A_396 = arith.constant 0 : i32
        %dma_start3A_397 = tpu.memref_slice %arg13[%rem3A_394, %dma_start3A_395, %dma_start3A_396] : memref<2x80x128xf32, #tpu.memory_space<vmem>> -> memref<1x80x128xf32, #tpu.memory_space<vmem>>
        %dma_start3A_398 = tpu.memref_squeeze %dma_start3A_397 : memref<1x80x128xf32, #tpu.memory_space<vmem>> -> memref<80x128xf32, #tpu.memory_space<vmem>>
        %dma_start3A_399 = arith.constant 0 : i32
        %dma_start3A_400 = tpu.memref_slice %arg10[%rem3A_392, %dma_start3A_399] : memref<4x80xi32, #tpu.memory_space<vmem>> -> memref<1x80xi32, #tpu.memory_space<vmem>>
        %dma_start3A_401 = tpu.memref_squeeze %dma_start3A_400 : memref<1x80xi32, #tpu.memory_space<vmem>> -> memref<80xi32, #tpu.memory_space<vmem>>
        %dma_start3A_402 = arith.constant 0 : i32
        %dma_start3A_403 = arith.constant 0 : i32
        %dma_start3A_404 = tpu.memref_slice %arg2[%dma_start3A_402, %dma_start3A_403] : memref<10000x128xf32, #tpu.memory_space<hbm>> -> memref<10000x128xf32, #tpu.memory_space<hbm>>
        tpu.enqueue_indirect_dma source(%dma_start3A_404 : memref<10000x128xf32, #tpu.memory_space<hbm>>) target(%dma_start3A_398 : memref<80x128xf32, #tpu.memory_space<vmem>>) offsets(%dma_start3A_401 : memref<80xi32, #tpu.memory_space<vmem>>) semaphore(%arg17 : memref<!tpu.dma_semaphore, #tpu.memory_space<semaphore_mem>>)
        %add3A_405 = arith.constant 1 : i32
        %add3A_406 = arith.addi %scan3A_328, %add3A_405 : i32
        %rem3A_407 = arith.constant 4 : i32
        %rem3A_408 = arith.remsi %add3A_406, %rem3A_407 : i32
        %dma_start3A_409 = arith.constant 0 : i32
        %dma_start3A_410 = tpu.memref_slice %arg12[%rem3A_408, %dma_start3A_409] : memref<4x80xf32, #tpu.memory_space<vmem>> -> memref<1x80xf32, #tpu.memory_space<vmem>>
        %dma_start3A_411 = tpu.memref_squeeze %dma_start3A_410 : memref<1x80xf32, #tpu.memory_space<vmem>> -> memref<80xf32, #tpu.memory_space<vmem>>
        %dma_start3A_412 = arith.constant 0 : i32
        %dma_start3A_413 = tpu.memref_slice %arg11[%rem3A_408, %dma_start3A_412] : memref<4x80xi32, #tpu.memory_space<vmem>> -> memref<1x80xi32, #tpu.memory_space<vmem>>
        %dma_start3A_414 = tpu.memref_squeeze %dma_start3A_413 : memref<1x80xi32, #tpu.memory_space<vmem>> -> memref<80xi32, #tpu.memory_space<vmem>>
        %dma_start3A_415 = arith.constant 0 : i32
        %dma_start3A_416 = tpu.memref_slice %arg15[%dma_start3A_415] : memref<10240xf32, #tpu.memory_space<vmem_shared>> -> memref<10240xf32, #tpu.memory_space<vmem_shared>>
        tpu.enqueue_indirect_dma source(%dma_start3A_411 : memref<80xf32, #tpu.memory_space<vmem>>) target(%dma_start3A_416 : memref<10240xf32, #tpu.memory_space<vmem_shared>>) offsets(%dma_start3A_414 : memref<80xi32, #tpu.memory_space<vmem>>) semaphore(%arg18 : memref<!tpu.dma_semaphore, #tpu.memory_space<semaphore_mem>>) {add = true}
        %lt3A_417 = arith.constant 123 : i32
        %lt3A_418 = arith.cmpi slt, %scan3A_328, %lt3A_417 : i32
        %convert_element_type3A_419 = arith.extui %lt3A_418 : i1 to i32
        %cond3A_420 = arith.constant 0 : i32
        %cond3A_421 = arith.cmpi ne, %convert_element_type3A_419, %cond3A_420 : i32
        scf.if %cond3A_421 {
          %add3A_422 = arith.constant 2 : i32
          %add3A_423 = arith.addi %scan3A_328, %add3A_422 : i32
          %rem3A_424 = arith.constant 4 : i32
          %rem3A_425 = arith.remsi %add3A_423, %rem3A_424 : i32
          %dma_start3A_426 = arith.constant 0 : i32
          %dma_start3A_427 = arith.constant 0 : i32
          %dma_start3A_428 = tpu.memref_slice %arg10[%rem3A_425, %dma_start3A_427] : memref<4x80xi32, #tpu.memory_space<vmem>> -> memref<1x80xi32, #tpu.memory_space<vmem>>
          %dma_start3A_429 = tpu.memref_squeeze %dma_start3A_428 : memref<1x80xi32, #tpu.memory_space<vmem>> -> memref<80xi32, #tpu.memory_space<vmem>>
          %dma_start3A_430 = arith.constant 0 : i32
          %dma_start3A_431 = tpu.memref_slice %arg5[%dma_start3A_426, %add3A, %add3A_423, %dma_start3A_430] : memref<2x32x125x80xi32, #tpu.memory_space<hbm>> -> memref<1x1x1x80xi32, #tpu.memory_space<hbm>>
          %dma_start3A_432 = tpu.memref_squeeze %dma_start3A_431 : memref<1x1x1x80xi32, #tpu.memory_space<hbm>> -> memref<80xi32, #tpu.memory_space<hbm>>
          %dma_start3A_433 = arith.constant 0 : i32
          %dma_start3A_434 = tpu.memref_slice %arg10[%rem3A_425, %dma_start3A_433] : memref<4x80xi32, #tpu.memory_space<vmem>> -> memref<1x80xi32, #tpu.memory_space<vmem>>
          %dma_start3A_435 = tpu.memref_squeeze %dma_start3A_434 : memref<1x80xi32, #tpu.memory_space<vmem>> -> memref<80xi32, #tpu.memory_space<vmem>>
          %dma_start3A_436 = arith.constant 0 : i32
          %dma_start3A_437 = tpu.memref_slice %arg5[%dma_start3A_426, %add3A, %add3A_423, %dma_start3A_436] : memref<2x32x125x80xi32, #tpu.memory_space<hbm>> -> memref<1x1x1x80xi32, #tpu.memory_space<hbm>>
          %dma_start3A_438 = tpu.memref_squeeze %dma_start3A_437 : memref<1x1x1x80xi32, #tpu.memory_space<hbm>> -> memref<80xi32, #tpu.memory_space<hbm>>
          tpu.enqueue_dma source(%dma_start3A_438 : memref<80xi32, #tpu.memory_space<hbm>>) target(%dma_start3A_435 : memref<80xi32, #tpu.memory_space<vmem>>) target_semaphore(%arg16 : memref<!tpu.dma_semaphore, #tpu.memory_space<semaphore_mem>>)
          %dma_start3A_439 = arith.constant 1 : i32
          %dma_start3A_440 = arith.constant 0 : i32
          %dma_start3A_441 = tpu.memref_slice %arg11[%rem3A_425, %dma_start3A_440] : memref<4x80xi32, #tpu.memory_space<vmem>> -> memref<1x80xi32, #tpu.memory_space<vmem>>
          %dma_start3A_442 = tpu.memref_squeeze %dma_start3A_441 : memref<1x80xi32, #tpu.memory_space<vmem>> -> memref<80xi32, #tpu.memory_space<vmem>>
          %dma_start3A_443 = arith.constant 0 : i32
          %dma_start3A_444 = tpu.memref_slice %arg5[%dma_start3A_439, %add3A, %add3A_423, %dma_start3A_443] : memref<2x32x125x80xi32, #tpu.memory_space<hbm>> -> memref<1x1x1x80xi32, #tpu.memory_space<hbm>>
          %dma_start3A_445 = tpu.memref_squeeze %dma_start3A_444 : memref<1x1x1x80xi32, #tpu.memory_space<hbm>> -> memref<80xi32, #tpu.memory_space<hbm>>
          %dma_start3A_446 = arith.constant 0 : i32
          %dma_start3A_447 = tpu.memref_slice %arg11[%rem3A_425, %dma_start3A_446] : memref<4x80xi32, #tpu.memory_space<vmem>> -> memref<1x80xi32, #tpu.memory_space<vmem>>
          %dma_start3A_448 = tpu.memref_squeeze %dma_start3A_447 : memref<1x80xi32, #tpu.memory_space<vmem>> -> memref<80xi32, #tpu.memory_space<vmem>>
          %dma_start3A_449 = arith.constant 0 : i32
          %dma_start3A_450 = tpu.memref_slice %arg5[%dma_start3A_439, %add3A, %add3A_423, %dma_start3A_449] : memref<2x32x125x80xi32, #tpu.memory_space<hbm>> -> memref<1x1x1x80xi32, #tpu.memory_space<hbm>>
          %dma_start3A_451 = tpu.memref_squeeze %dma_start3A_450 : memref<1x1x1x80xi32, #tpu.memory_space<hbm>> -> memref<80xi32, #tpu.memory_space<hbm>>
          tpu.enqueue_dma source(%dma_start3A_451 : memref<80xi32, #tpu.memory_space<hbm>>) target(%dma_start3A_448 : memref<80xi32, #tpu.memory_space<vmem>>) target_semaphore(%arg16 : memref<!tpu.dma_semaphore, #tpu.memory_space<semaphore_mem>>)
        } else {
        }
      } else {
      }
      %rem3A_343 = arith.constant 4 : i32
      %rem3A_344 = arith.remsi %scan3A_328, %rem3A_343 : i32
      %rem3A_345 = arith.constant 2 : i32
      %rem3A_346 = arith.remsi %scan3A_328, %rem3A_345 : i32
      %dma_wait3A_347 = arith.constant 0 : i32
      %dma_wait3A_348 = arith.constant 0 : i32
      %dma_wait3A_349 = tpu.memref_slice %arg13[%rem3A_346, %dma_wait3A_347, %dma_wait3A_348] : memref<2x80x128xf32, #tpu.memory_space<vmem>> -> memref<1x80x128xf32, #tpu.memory_space<vmem>>
      %dma_wait3A_350 = tpu.memref_squeeze %dma_wait3A_349 : memref<1x80x128xf32, #tpu.memory_space<vmem>> -> memref<80x128xf32, #tpu.memory_space<vmem>>
      %dma_wait3A_351 = arith.constant 0 : i32
      %dma_wait3A_352 = tpu.memref_slice %arg10[%rem3A_344, %dma_wait3A_351] : memref<4x80xi32, #tpu.memory_space<vmem>> -> memref<1x80xi32, #tpu.memory_space<vmem>>
      %dma_wait3A_353 = tpu.memref_squeeze %dma_wait3A_352 : memref<1x80xi32, #tpu.memory_space<vmem>> -> memref<80xi32, #tpu.memory_space<vmem>>
      %dma_wait3A_354 = arith.constant 0 : i32
      %dma_wait3A_355 = arith.constant 0 : i32
      %dma_wait3A_356 = tpu.memref_slice %arg2[%dma_wait3A_354, %dma_wait3A_355] : memref<10000x128xf32, #tpu.memory_space<hbm>> -> memref<10000x128xf32, #tpu.memory_space<hbm>>
      tpu.wait_indirect_dma semaphore(%arg17 : memref<!tpu.dma_semaphore, #tpu.memory_space<semaphore_mem>>) src(%dma_wait3A_356 : memref<10000x128xf32, #tpu.memory_space<hbm>>) dst(%dma_wait3A_350 : memref<80x128xf32, #tpu.memory_space<vmem>>)
      %rem3A_357 = arith.constant 4 : i32
      %rem3A_358 = arith.remsi %scan3A_328, %rem3A_357 : i32
      %rem3A_359 = arith.constant 2 : i32
      %rem3A_360 = arith.remsi %scan3A_328, %rem3A_359 : i32
      %broadcast_in_dim3A_361 = vector.broadcast %rem3A_358 : i32 to vector<16xi32>
      %broadcast_in_dim3A_362 = arith.constant 0 : i32
      %broadcast_in_dim3A_363 = vector.broadcast %broadcast_in_dim3A_362 : i32 to vector<16xi32>
      %gather3A_364 = tpu.vector_load_idx %arg12[%broadcast_in_dim3A_361, %broadcast_in_dim3A_363] : memref<4x80xf32, #tpu.memory_space<vmem>>[vector<16xi32>, vector<16xi32>], vector<16xf32>,
      %broadcast_in_dim3A_365 = vector.broadcast %rem3A_358 : i32 to vector<16xi32>
      %broadcast_in_dim3A_366 = arith.constant 1 : i32
      %broadcast_in_dim3A_367 = vector.broadcast %broadcast_in_dim3A_366 : i32 to vector<16xi32>
      %gather3A_368 = tpu.vector_load_idx %arg12[%broadcast_in_dim3A_365, %broadcast_in_dim3A_367] : memref<4x80xf32, #tpu.memory_space<vmem>>[vector<16xi32>, vector<16xi32>], vector<16xf32>,
      %scan3A_369 = arith.constant 0 : i32
      %scan3A_370 = arith.constant 40 : i32
      %scan3A_371 = arith.addi %scan3A_369, %scan3A_370 : i32
      %scan3A_372 = arith.constant 1 : i32
      %scan3A_373:2 = scf.for %scan3A_389 = %scan3A_369 to %scan3A_371 step %scan3A_372 iter_args(%scan3A_390 = %gather3A_364, %scan3A_391 = %gather3A_368) -> (vector<16xf32>, vector<16xf32>)  : i32 {
        %mul3A_392 = arith.constant 2 : i32
        %mul3A_393 = arith.muli %mul3A_392, %scan3A_389 : i32
        %add3A_394 = arith.constant 2 : i32
        %add3A_395 = arith.addi %mul3A_393, %add3A_394 : i32
        %min3A = arith.constant 79 : i32
        %min3A_396 = arith.minsi %add3A_395, %min3A : i32
        %broadcast_in_dim3A_397 = vector.broadcast %rem3A_358 : i32 to vector<16xi32>
        %broadcast_in_dim3A_398 = vector.broadcast %min3A_396 : i32 to vector<16xi32>
        %gather3A_399 = tpu.vector_load_idx %arg12[%broadcast_in_dim3A_397, %broadcast_in_dim3A_398] : memref<4x80xf32, #tpu.memory_space<vmem>>[vector<16xi32>, vector<16xi32>], vector<16xf32>,
        %mul3A_400 = arith.constant 2 : i32
        %mul3A_401 = arith.muli %mul3A_400, %scan3A_389 : i32
        %add3A_402 = arith.constant 3 : i32
        %add3A_403 = arith.addi %mul3A_401, %add3A_402 : i32
        %min3A_404 = arith.constant 79 : i32
        %min3A_405 = arith.minsi %add3A_403, %min3A_404 : i32
        %broadcast_in_dim3A_406 = vector.broadcast %rem3A_358 : i32 to vector<16xi32>
        %broadcast_in_dim3A_407 = vector.broadcast %min3A_405 : i32 to vector<16xi32>
        %gather3A_408 = tpu.vector_load_idx %arg12[%broadcast_in_dim3A_406, %broadcast_in_dim3A_407] : memref<4x80xf32, #tpu.memory_space<vmem>>[vector<16xi32>, vector<16xi32>], vector<16xf32>,
        %mul3A_409 = arith.constant 2 : i32
        %mul3A_410 = arith.muli %mul3A_409, %scan3A_389 : i32
        %mul3A_411 = arith.constant 2 : i32
        %mul3A_412 = arith.muli %mul3A_411, %scan3A_389 : i32
        %add3A_413 = arith.constant 1 : i32
        %add3A_414 = arith.addi %mul3A_412, %add3A_413 : i32
        %get3A_415 = arith.constant 0 : i32
        %get3A_416 = tpu.memref_slice %arg13[%rem3A_360, %mul3A_410, %get3A_415] : memref<2x80x128xf32, #tpu.memory_space<vmem>> -> memref<1x1x128xf32, #tpu.memory_space<vmem>>
        %get3A_417 = tpu.memref_squeeze %get3A_416 : memref<1x1x128xf32, #tpu.memory_space<vmem>> -> memref<128xf32, #tpu.memory_space<vmem>>
        %get3A_418 = arith.constant 0 : index
        %get3A_419 = tpu.vector_load %get3A_417[%get3A_418] {strides = array<i32>} : memref<128xf32, #tpu.memory_space<vmem>>, vector<16xf32>,
        %mul3A_420 = arith.mulf %get3A_419, %scan3A_390 : vector<16xf32>
        %swap3A_421 = arith.constant 0 : i32
        %swap3A_422 = tpu.memref_slice %arg13[%rem3A_360, %mul3A_410, %swap3A_421] : memref<2x80x128xf32, #tpu.memory_space<vmem>> -> memref<1x1x128xf32, #tpu.memory_space<vmem>>
        %swap3A_423 = tpu.memref_squeeze %swap3A_422 : memref<1x1x128xf32, #tpu.memory_space<vmem>> -> memref<128xf32, #tpu.memory_space<vmem>>
        %swap3A_424 = arith.constant 0 : index
        %swap3A_425 = tpu.vector_load %swap3A_423[%swap3A_424] {strides = array<i32>} : memref<128xf32, #tpu.memory_space<vmem>>, vector<16xf32>,
        tpu.vector_store %swap3A_423[%swap3A_424], %mul3A_420 {strides = array<i32>} : memref<128xf32, #tpu.memory_space<vmem>>, vector<16xf32>,
        %get3A_426 = arith.constant 0 : i32
        %get3A_427 = tpu.memref_slice %arg13[%rem3A_360, %mul3A_410, %get3A_426] : memref<2x80x128xf32, #tpu.memory_space<vmem>> -> memref<1x1x128xf32, #tpu.memory_space<vmem>>
        %get3A_428 = tpu.memref_squeeze %get3A_427 : memref<1x1x128xf32, #tpu.memory_space<vmem>> -> memref<128xf32, #tpu.memory_space<vmem>>
        %get3A_429 = arith.constant 16 : index
        %get3A_430 = tpu.vector_load %get3A_428[%get3A_429] {strides = array<i32>} : memref<128xf32, #tpu.memory_space<vmem>>, vector<16xf32>,
        %mul3A_431 = arith.mulf %get3A_430, %scan3A_390 : vector<16xf32>
        %swap3A_432 = arith.constant 0 : i32
        %swap3A_433 = tpu.memref_slice %arg13[%rem3A_360, %mul3A_410, %swap3A_432] : memref<2x80x128xf32, #tpu.memory_space<vmem>> -> memref<1x1x128xf32, #tpu.memory_space<vmem>>
        %swap3A_434 = tpu.memref_squeeze %swap3A_433 : memref<1x1x128xf32, #tpu.memory_space<vmem>> -> memref<128xf32, #tpu.memory_space<vmem>>
        %swap3A_435 = arith.constant 16 : index
        %swap3A_436 = tpu.vector_load %swap3A_434[%swap3A_435] {strides = array<i32>} : memref<128xf32, #tpu.memory_space<vmem>>, vector<16xf32>,
        tpu.vector_store %swap3A_434[%swap3A_435], %mul3A_431 {strides = array<i32>} : memref<128xf32, #tpu.memory_space<vmem>>, vector<16xf32>,
        %get3A_437 = arith.constant 0 : i32
        %get3A_438 = tpu.memref_slice %arg13[%rem3A_360, %mul3A_410, %get3A_437] : memref<2x80x128xf32, #tpu.memory_space<vmem>> -> memref<1x1x128xf32, #tpu.memory_space<vmem>>
        %get3A_439 = tpu.memref_squeeze %get3A_438 : memref<1x1x128xf32, #tpu.memory_space<vmem>> -> memref<128xf32, #tpu.memory_space<vmem>>
        %get3A_440 = arith.constant 32 : index
        %get3A_441 = tpu.vector_load %get3A_439[%get3A_440] {strides = array<i32>} : memref<128xf32, #tpu.memory_space<vmem>>, vector<16xf32>,
        %mul3A_442 = arith.mulf %get3A_441, %scan3A_390 : vector<16xf32>
        %swap3A_443 = arith.constant 0 : i32
        %swap3A_444 = tpu.memref_slice %arg13[%rem3A_360, %mul3A_410, %swap3A_443] : memref<2x80x128xf32, #tpu.memory_space<vmem>> -> memref<1x1x128xf32, #tpu.memory_space<vmem>>
        %swap3A_445 = tpu.memref_squeeze %swap3A_444 : memref<1x1x128xf32, #tpu.memory_space<vmem>> -> memref<128xf32, #tpu.memory_space<vmem>>
        %swap3A_446 = arith.constant 32 : index
        %swap3A_447 = tpu.vector_load %swap3A_445[%swap3A_446] {strides = array<i32>} : memref<128xf32, #tpu.memory_space<vmem>>, vector<16xf32>,
        tpu.vector_store %swap3A_445[%swap3A_446], %mul3A_442 {strides = array<i32>} : memref<128xf32, #tpu.memory_space<vmem>>, vector<16xf32>,
        %get3A_448 = arith.constant 0 : i32
        %get3A_449 = tpu.memref_slice %arg13[%rem3A_360, %mul3A_410, %get3A_448] : memref<2x80x128xf32, #tpu.memory_space<vmem>> -> memref<1x1x128xf32, #tpu.memory_space<vmem>>
        %get3A_450 = tpu.memref_squeeze %get3A_449 : memref<1x1x128xf32, #tpu.memory_space<vmem>> -> memref<128xf32, #tpu.memory_space<vmem>>
        %get3A_451 = arith.constant 48 : index
        %get3A_452 = tpu.vector_load %get3A_450[%get3A_451] {strides = array<i32>} : memref<128xf32, #tpu.memory_space<vmem>>, vector<16xf32>,
        %mul3A_453 = arith.mulf %get3A_452, %scan3A_390 : vector<16xf32>
        %swap3A_454 = arith.constant 0 : i32
        %swap3A_455 = tpu.memref_slice %arg13[%rem3A_360, %mul3A_410, %swap3A_454] : memref<2x80x128xf32, #tpu.memory_space<vmem>> -> memref<1x1x128xf32, #tpu.memory_space<vmem>>
        %swap3A_456 = tpu.memref_squeeze %swap3A_455 : memref<1x1x128xf32, #tpu.memory_space<vmem>> -> memref<128xf32, #tpu.memory_space<vmem>>
        %swap3A_457 = arith.constant 48 : index
        %swap3A_458 = tpu.vector_load %swap3A_456[%swap3A_457] {strides = array<i32>} : memref<128xf32, #tpu.memory_space<vmem>>, vector<16xf32>,
        tpu.vector_store %swap3A_456[%swap3A_457], %mul3A_453 {strides = array<i32>} : memref<128xf32, #tpu.memory_space<vmem>>, vector<16xf32>,
        %get3A_459 = arith.constant 0 : i32
        %get3A_460 = tpu.memref_slice %arg13[%rem3A_360, %mul3A_410, %get3A_459] : memref<2x80x128xf32, #tpu.memory_space<vmem>> -> memref<1x1x128xf32, #tpu.memory_space<vmem>>
        %get3A_461 = tpu.memref_squeeze %get3A_460 : memref<1x1x128xf32, #tpu.memory_space<vmem>> -> memref<128xf32, #tpu.memory_space<vmem>>
        %get3A_462 = arith.constant 64 : index
        %get3A_463 = tpu.vector_load %get3A_461[%get3A_462] {strides = array<i32>} : memref<128xf32, #tpu.memory_space<vmem>>, vector<16xf32>,
        %mul3A_464 = arith.mulf %get3A_463, %scan3A_390 : vector<16xf32>
        %swap3A_465 = arith.constant 0 : i32
        %swap3A_466 = tpu.memref_slice %arg13[%rem3A_360, %mul3A_410, %swap3A_465] : memref<2x80x128xf32, #tpu.memory_space<vmem>> -> memref<1x1x128xf32, #tpu.memory_space<vmem>>
        %swap3A_467 = tpu.memref_squeeze %swap3A_466 : memref<1x1x128xf32, #tpu.memory_space<vmem>> -> memref<128xf32, #tpu.memory_space<vmem>>
        %swap3A_468 = arith.constant 64 : index
        %swap3A_469 = tpu.vector_load %swap3A_467[%swap3A_468] {strides = array<i32>} : memref<128xf32, #tpu.memory_space<vmem>>, vector<16xf32>,
        tpu.vector_store %swap3A_467[%swap3A_468], %mul3A_464 {strides = array<i32>} : memref<128xf32, #tpu.memory_space<vmem>>, vector<16xf32>,
        %get3A_470 = arith.constant 0 : i32
        %get3A_471 = tpu.memref_slice %arg13[%rem3A_360, %mul3A_410, %get3A_470] : memref<2x80x128xf32, #tpu.memory_space<vmem>> -> memref<1x1x128xf32, #tpu.memory_space<vmem>>
        %get3A_472 = tpu.memref_squeeze %get3A_471 : memref<1x1x128xf32, #tpu.memory_space<vmem>> -> memref<128xf32, #tpu.memory_space<vmem>>
        %get3A_473 = arith.constant 80 : index
        %get3A_474 = tpu.vector_load %get3A_472[%get3A_473] {strides = array<i32>} : memref<128xf32, #tpu.memory_space<vmem>>, vector<16xf32>,
        %mul3A_475 = arith.mulf %get3A_474, %scan3A_390 : vector<16xf32>
        %swap3A_476 = arith.constant 0 : i32
        %swap3A_477 = tpu.memref_slice %arg13[%rem3A_360, %mul3A_410, %swap3A_476] : memref<2x80x128xf32, #tpu.memory_space<vmem>> -> memref<1x1x128xf32, #tpu.memory_space<vmem>>
        %swap3A_478 = tpu.memref_squeeze %swap3A_477 : memref<1x1x128xf32, #tpu.memory_space<vmem>> -> memref<128xf32, #tpu.memory_space<vmem>>
        %swap3A_479 = arith.constant 80 : index
        %swap3A_480 = tpu.vector_load %swap3A_478[%swap3A_479] {strides = array<i32>} : memref<128xf32, #tpu.memory_space<vmem>>, vector<16xf32>,
        tpu.vector_store %swap3A_478[%swap3A_479], %mul3A_475 {strides = array<i32>} : memref<128xf32, #tpu.memory_space<vmem>>, vector<16xf32>,
        %get3A_481 = arith.constant 0 : i32
        %get3A_482 = tpu.memref_slice %arg13[%rem3A_360, %mul3A_410, %get3A_481] : memref<2x80x128xf32, #tpu.memory_space<vmem>> -> memref<1x1x128xf32, #tpu.memory_space<vmem>>
        %get3A_483 = tpu.memref_squeeze %get3A_482 : memref<1x1x128xf32, #tpu.memory_space<vmem>> -> memref<128xf32, #tpu.memory_space<vmem>>
        %get3A_484 = arith.constant 96 : index
        %get3A_485 = tpu.vector_load %get3A_483[%get3A_484] {strides = array<i32>} : memref<128xf32, #tpu.memory_space<vmem>>, vector<16xf32>,
        %mul3A_486 = arith.mulf %get3A_485, %scan3A_390 : vector<16xf32>
        %swap3A_487 = arith.constant 0 : i32
        %swap3A_488 = tpu.memref_slice %arg13[%rem3A_360, %mul3A_410, %swap3A_487] : memref<2x80x128xf32, #tpu.memory_space<vmem>> -> memref<1x1x128xf32, #tpu.memory_space<vmem>>
        %swap3A_489 = tpu.memref_squeeze %swap3A_488 : memref<1x1x128xf32, #tpu.memory_space<vmem>> -> memref<128xf32, #tpu.memory_space<vmem>>
        %swap3A_490 = arith.constant 96 : index
        %swap3A_491 = tpu.vector_load %swap3A_489[%swap3A_490] {strides = array<i32>} : memref<128xf32, #tpu.memory_space<vmem>>, vector<16xf32>,
        tpu.vector_store %swap3A_489[%swap3A_490], %mul3A_486 {strides = array<i32>} : memref<128xf32, #tpu.memory_space<vmem>>, vector<16xf32>,
        %get3A_492 = arith.constant 0 : i32
        %get3A_493 = tpu.memref_slice %arg13[%rem3A_360, %mul3A_410, %get3A_492] : memref<2x80x128xf32, #tpu.memory_space<vmem>> -> memref<1x1x128xf32, #tpu.memory_space<vmem>>
        %get3A_494 = tpu.memref_squeeze %get3A_493 : memref<1x1x128xf32, #tpu.memory_space<vmem>> -> memref<128xf32, #tpu.memory_space<vmem>>
        %get3A_495 = arith.constant 112 : index
        %get3A_496 = tpu.vector_load %get3A_494[%get3A_495] {strides = array<i32>} : memref<128xf32, #tpu.memory_space<vmem>>, vector<16xf32>,
        %mul3A_497 = arith.mulf %get3A_496, %scan3A_390 : vector<16xf32>
        %swap3A_498 = arith.constant 0 : i32
        %swap3A_499 = tpu.memref_slice %arg13[%rem3A_360, %mul3A_410, %swap3A_498] : memref<2x80x128xf32, #tpu.memory_space<vmem>> -> memref<1x1x128xf32, #tpu.memory_space<vmem>>
        %swap3A_500 = tpu.memref_squeeze %swap3A_499 : memref<1x1x128xf32, #tpu.memory_space<vmem>> -> memref<128xf32, #tpu.memory_space<vmem>>
        %swap3A_501 = arith.constant 112 : index
        %swap3A_502 = tpu.vector_load %swap3A_500[%swap3A_501] {strides = array<i32>} : memref<128xf32, #tpu.memory_space<vmem>>, vector<16xf32>,
        tpu.vector_store %swap3A_500[%swap3A_501], %mul3A_497 {strides = array<i32>} : memref<128xf32, #tpu.memory_space<vmem>>, vector<16xf32>,
        %get3A_503 = arith.constant 0 : i32
        %get3A_504 = tpu.memref_slice %arg13[%rem3A_360, %add3A_414, %get3A_503] : memref<2x80x128xf32, #tpu.memory_space<vmem>> -> memref<1x1x128xf32, #tpu.memory_space<vmem>>
        %get3A_505 = tpu.memref_squeeze %get3A_504 : memref<1x1x128xf32, #tpu.memory_space<vmem>> -> memref<128xf32, #tpu.memory_space<vmem>>
        %get3A_506 = arith.constant 0 : index
        %get3A_507 = tpu.vector_load %get3A_505[%get3A_506] {strides = array<i32>} : memref<128xf32, #tpu.memory_space<vmem>>, vector<16xf32>,
        %mul3A_508 = arith.mulf %get3A_507, %scan3A_391 : vector<16xf32>
        %swap3A_509 = arith.constant 0 : i32
        %swap3A_510 = tpu.memref_slice %arg13[%rem3A_360, %add3A_414, %swap3A_509] : memref<2x80x128xf32, #tpu.memory_space<vmem>> -> memref<1x1x128xf32, #tpu.memory_space<vmem>>
        %swap3A_511 = tpu.memref_squeeze %swap3A_510 : memref<1x1x128xf32, #tpu.memory_space<vmem>> -> memref<128xf32, #tpu.memory_space<vmem>>
        %swap3A_512 = arith.constant 0 : index
        %swap3A_513 = tpu.vector_load %swap3A_511[%swap3A_512] {strides = array<i32>} : memref<128xf32, #tpu.memory_space<vmem>>, vector<16xf32>,
        tpu.vector_store %swap3A_511[%swap3A_512], %mul3A_508 {strides = array<i32>} : memref<128xf32, #tpu.memory_space<vmem>>, vector<16xf32>,
        %get3A_514 = arith.constant 0 : i32
        %get3A_515 = tpu.memref_slice %arg13[%rem3A_360, %add3A_414, %get3A_514] : memref<2x80x128xf32, #tpu.memory_space<vmem>> -> memref<1x1x128xf32, #tpu.memory_space<vmem>>
        %get3A_516 = tpu.memref_squeeze %get3A_515 : memref<1x1x128xf32, #tpu.memory_space<vmem>> -> memref<128xf32, #tpu.memory_space<vmem>>
        %get3A_517 = arith.constant 16 : index
        %get3A_518 = tpu.vector_load %get3A_516[%get3A_517] {strides = array<i32>} : memref<128xf32, #tpu.memory_space<vmem>>, vector<16xf32>,
        %mul3A_519 = arith.mulf %get3A_518, %scan3A_391 : vector<16xf32>
        %swap3A_520 = arith.constant 0 : i32
        %swap3A_521 = tpu.memref_slice %arg13[%rem3A_360, %add3A_414, %swap3A_520] : memref<2x80x128xf32, #tpu.memory_space<vmem>> -> memref<1x1x128xf32, #tpu.memory_space<vmem>>
        %swap3A_522 = tpu.memref_squeeze %swap3A_521 : memref<1x1x128xf32, #tpu.memory_space<vmem>> -> memref<128xf32, #tpu.memory_space<vmem>>
        %swap3A_523 = arith.constant 16 : index
        %swap3A_524 = tpu.vector_load %swap3A_522[%swap3A_523] {strides = array<i32>} : memref<128xf32, #tpu.memory_space<vmem>>, vector<16xf32>,
        tpu.vector_store %swap3A_522[%swap3A_523], %mul3A_519 {strides = array<i32>} : memref<128xf32, #tpu.memory_space<vmem>>, vector<16xf32>,
        %get3A_525 = arith.constant 0 : i32
        %get3A_526 = tpu.memref_slice %arg13[%rem3A_360, %add3A_414, %get3A_525] : memref<2x80x128xf32, #tpu.memory_space<vmem>> -> memref<1x1x128xf32, #tpu.memory_space<vmem>>
        %get3A_527 = tpu.memref_squeeze %get3A_526 : memref<1x1x128xf32, #tpu.memory_space<vmem>> -> memref<128xf32, #tpu.memory_space<vmem>>
        %get3A_528 = arith.constant 32 : index
        %get3A_529 = tpu.vector_load %get3A_527[%get3A_528] {strides = array<i32>} : memref<128xf32, #tpu.memory_space<vmem>>, vector<16xf32>,
        %mul3A_530 = arith.mulf %get3A_529, %scan3A_391 : vector<16xf32>
        %swap3A_531 = arith.constant 0 : i32
        %swap3A_532 = tpu.memref_slice %arg13[%rem3A_360, %add3A_414, %swap3A_531] : memref<2x80x128xf32, #tpu.memory_space<vmem>> -> memref<1x1x128xf32, #tpu.memory_space<vmem>>
        %swap3A_533 = tpu.memref_squeeze %swap3A_532 : memref<1x1x128xf32, #tpu.memory_space<vmem>> -> memref<128xf32, #tpu.memory_space<vmem>>
        %swap3A_534 = arith.constant 32 : index
        %swap3A_535 = tpu.vector_load %swap3A_533[%swap3A_534] {strides = array<i32>} : memref<128xf32, #tpu.memory_space<vmem>>, vector<16xf32>,
        tpu.vector_store %swap3A_533[%swap3A_534], %mul3A_530 {strides = array<i32>} : memref<128xf32, #tpu.memory_space<vmem>>, vector<16xf32>,
        %get3A_536 = arith.constant 0 : i32
        %get3A_537 = tpu.memref_slice %arg13[%rem3A_360, %add3A_414, %get3A_536] : memref<2x80x128xf32, #tpu.memory_space<vmem>> -> memref<1x1x128xf32, #tpu.memory_space<vmem>>
        %get3A_538 = tpu.memref_squeeze %get3A_537 : memref<1x1x128xf32, #tpu.memory_space<vmem>> -> memref<128xf32, #tpu.memory_space<vmem>>
        %get3A_539 = arith.constant 48 : index
        %get3A_540 = tpu.vector_load %get3A_538[%get3A_539] {strides = array<i32>} : memref<128xf32, #tpu.memory_space<vmem>>, vector<16xf32>,
        %mul3A_541 = arith.mulf %get3A_540, %scan3A_391 : vector<16xf32>
        %swap3A_542 = arith.constant 0 : i32
        %swap3A_543 = tpu.memref_slice %arg13[%rem3A_360, %add3A_414, %swap3A_542] : memref<2x80x128xf32, #tpu.memory_space<vmem>> -> memref<1x1x128xf32, #tpu.memory_space<vmem>>
        %swap3A_544 = tpu.memref_squeeze %swap3A_543 : memref<1x1x128xf32, #tpu.memory_space<vmem>> -> memref<128xf32, #tpu.memory_space<vmem>>
        %swap3A_545 = arith.constant 48 : index
        %swap3A_546 = tpu.vector_load %swap3A_544[%swap3A_545] {strides = array<i32>} : memref<128xf32, #tpu.memory_space<vmem>>, vector<16xf32>,
        tpu.vector_store %swap3A_544[%swap3A_545], %mul3A_541 {strides = array<i32>} : memref<128xf32, #tpu.memory_space<vmem>>, vector<16xf32>,
        %get3A_547 = arith.constant 0 : i32
        %get3A_548 = tpu.memref_slice %arg13[%rem3A_360, %add3A_414, %get3A_547] : memref<2x80x128xf32, #tpu.memory_space<vmem>> -> memref<1x1x128xf32, #tpu.memory_space<vmem>>
        %get3A_549 = tpu.memref_squeeze %get3A_548 : memref<1x1x128xf32, #tpu.memory_space<vmem>> -> memref<128xf32, #tpu.memory_space<vmem>>
        %get3A_550 = arith.constant 64 : index
        %get3A_551 = tpu.vector_load %get3A_549[%get3A_550] {strides = array<i32>} : memref<128xf32, #tpu.memory_space<vmem>>, vector<16xf32>,
        %mul3A_552 = arith.mulf %get3A_551, %scan3A_391 : vector<16xf32>
        %swap3A_553 = arith.constant 0 : i32
        %swap3A_554 = tpu.memref_slice %arg13[%rem3A_360, %add3A_414, %swap3A_553] : memref<2x80x128xf32, #tpu.memory_space<vmem>> -> memref<1x1x128xf32, #tpu.memory_space<vmem>>
        %swap3A_555 = tpu.memref_squeeze %swap3A_554 : memref<1x1x128xf32, #tpu.memory_space<vmem>> -> memref<128xf32, #tpu.memory_space<vmem>>
        %swap3A_556 = arith.constant 64 : index
        %swap3A_557 = tpu.vector_load %swap3A_555[%swap3A_556] {strides = array<i32>} : memref<128xf32, #tpu.memory_space<vmem>>, vector<16xf32>,
        tpu.vector_store %swap3A_555[%swap3A_556], %mul3A_552 {strides = array<i32>} : memref<128xf32, #tpu.memory_space<vmem>>, vector<16xf32>,
        %get3A_558 = arith.constant 0 : i32
        %get3A_559 = tpu.memref_slice %arg13[%rem3A_360, %add3A_414, %get3A_558] : memref<2x80x128xf32, #tpu.memory_space<vmem>> -> memref<1x1x128xf32, #tpu.memory_space<vmem>>
        %get3A_560 = tpu.memref_squeeze %get3A_559 : memref<1x1x128xf32, #tpu.memory_space<vmem>> -> memref<128xf32, #tpu.memory_space<vmem>>
        %get3A_561 = arith.constant 80 : index
        %get3A_562 = tpu.vector_load %get3A_560[%get3A_561] {strides = array<i32>} : memref<128xf32, #tpu.memory_space<vmem>>, vector<16xf32>,
        %mul3A_563 = arith.mulf %get3A_562, %scan3A_391 : vector<16xf32>
        %swap3A_564 = arith.constant 0 : i32
        %swap3A_565 = tpu.memref_slice %arg13[%rem3A_360, %add3A_414, %swap3A_564] : memref<2x80x128xf32, #tpu.memory_space<vmem>> -> memref<1x1x128xf32, #tpu.memory_space<vmem>>
        %swap3A_566 = tpu.memref_squeeze %swap3A_565 : memref<1x1x128xf32, #tpu.memory_space<vmem>> -> memref<128xf32, #tpu.memory_space<vmem>>
        %swap3A_567 = arith.constant 80 : index
        %swap3A_568 = tpu.vector_load %swap3A_566[%swap3A_567] {strides = array<i32>} : memref<128xf32, #tpu.memory_space<vmem>>, vector<16xf32>,
        tpu.vector_store %swap3A_566[%swap3A_567], %mul3A_563 {strides = array<i32>} : memref<128xf32, #tpu.memory_space<vmem>>, vector<16xf32>,
        %get3A_569 = arith.constant 0 : i32
        %get3A_570 = tpu.memref_slice %arg13[%rem3A_360, %add3A_414, %get3A_569] : memref<2x80x128xf32, #tpu.memory_space<vmem>> -> memref<1x1x128xf32, #tpu.memory_space<vmem>>
        %get3A_571 = tpu.memref_squeeze %get3A_570 : memref<1x1x128xf32, #tpu.memory_space<vmem>> -> memref<128xf32, #tpu.memory_space<vmem>>
        %get3A_572 = arith.constant 96 : index
        %get3A_573 = tpu.vector_load %get3A_571[%get3A_572] {strides = array<i32>} : memref<128xf32, #tpu.memory_space<vmem>>, vector<16xf32>,
        %mul3A_574 = arith.mulf %get3A_573, %scan3A_391 : vector<16xf32>
        %swap3A_575 = arith.constant 0 : i32
        %swap3A_576 = tpu.memref_slice %arg13[%rem3A_360, %add3A_414, %swap3A_575] : memref<2x80x128xf32, #tpu.memory_space<vmem>> -> memref<1x1x128xf32, #tpu.memory_space<vmem>>
        %swap3A_577 = tpu.memref_squeeze %swap3A_576 : memref<1x1x128xf32, #tpu.memory_space<vmem>> -> memref<128xf32, #tpu.memory_space<vmem>>
        %swap3A_578 = arith.constant 96 : index
        %swap3A_579 = tpu.vector_load %swap3A_577[%swap3A_578] {strides = array<i32>} : memref<128xf32, #tpu.memory_space<vmem>>, vector<16xf32>,
        tpu.vector_store %swap3A_577[%swap3A_578], %mul3A_574 {strides = array<i32>} : memref<128xf32, #tpu.memory_space<vmem>>, vector<16xf32>,
        %get3A_580 = arith.constant 0 : i32
        %get3A_581 = tpu.memref_slice %arg13[%rem3A_360, %add3A_414, %get3A_580] : memref<2x80x128xf32, #tpu.memory_space<vmem>> -> memref<1x1x128xf32, #tpu.memory_space<vmem>>
        %get3A_582 = tpu.memref_squeeze %get3A_581 : memref<1x1x128xf32, #tpu.memory_space<vmem>> -> memref<128xf32, #tpu.memory_space<vmem>>
        %get3A_583 = arith.constant 112 : index
        %get3A_584 = tpu.vector_load %get3A_582[%get3A_583] {strides = array<i32>} : memref<128xf32, #tpu.memory_space<vmem>>, vector<16xf32>,
        %mul3A_585 = arith.mulf %get3A_584, %scan3A_391 : vector<16xf32>
        %swap3A_586 = arith.constant 0 : i32
        %swap3A_587 = tpu.memref_slice %arg13[%rem3A_360, %add3A_414, %swap3A_586] : memref<2x80x128xf32, #tpu.memory_space<vmem>> -> memref<1x1x128xf32, #tpu.memory_space<vmem>>
        %swap3A_588 = tpu.memref_squeeze %swap3A_587 : memref<1x1x128xf32, #tpu.memory_space<vmem>> -> memref<128xf32, #tpu.memory_space<vmem>>
        %swap3A_589 = arith.constant 112 : index
        %swap3A_590 = tpu.vector_load %swap3A_588[%swap3A_589] {strides = array<i32>} : memref<128xf32, #tpu.memory_space<vmem>>, vector<16xf32>,
        tpu.vector_store %swap3A_588[%swap3A_589], %mul3A_585 {strides = array<i32>} : memref<128xf32, #tpu.memory_space<vmem>>, vector<16xf32>,
        scf.yield %gather3A_399, %gather3A_408 : vector<16xf32>, vector<16xf32>
      }
      %scan3A_374 = arith.constant 40 : i32
      %rem3A_375 = arith.constant 4 : i32
      %rem3A_376 = arith.remsi %scan3A_328, %rem3A_375 : i32
      %rem3A_377 = arith.constant 2 : i32
      %rem3A_378 = arith.remsi %scan3A_328, %rem3A_377 : i32
      %dma_start3A_379 = arith.constant 0 : i32
      %dma_start3A_380 = arith.constant 0 : i32
      %dma_start3A_381 = tpu.memref_slice %arg13[%rem3A_378, %dma_start3A_379, %dma_start3A_380] : memref<2x80x128xf32, #tpu.memory_space<vmem>> -> memref<1x80x128xf32, #tpu.memory_space<vmem>>
      %dma_start3A_382 = tpu.memref_squeeze %dma_start3A_381 : memref<1x80x128xf32, #tpu.memory_space<vmem>> -> memref<80x128xf32, #tpu.memory_space<vmem>>
      %dma_start3A_383 = arith.constant 0 : i32
      %dma_start3A_384 = tpu.memref_slice %arg11[%rem3A_376, %dma_start3A_383] : memref<4x80xi32, #tpu.memory_space<vmem>> -> memref<1x80xi32, #tpu.memory_space<vmem>>
      %dma_start3A_385 = tpu.memref_squeeze %dma_start3A_384 : memref<1x80xi32, #tpu.memory_space<vmem>> -> memref<80xi32, #tpu.memory_space<vmem>>
      %dma_start3A_386 = arith.constant 0 : i32
      %dma_start3A_387 = arith.constant 0 : i32
      %dma_start3A_388 = tpu.memref_slice %arg14[%dma_start3A_386, %dma_start3A_387] : memref<10000x128xf32, #tpu.memory_space<vmem_shared>> -> memref<10000x128xf32, #tpu.memory_space<vmem_shared>>
      tpu.enqueue_indirect_dma source(%dma_start3A_382 : memref<80x128xf32, #tpu.memory_space<vmem>>) target(%dma_start3A_388 : memref<10000x128xf32, #tpu.memory_space<vmem_shared>>) offsets(%dma_start3A_385 : memref<80xi32, #tpu.memory_space<vmem>>) semaphore(%arg19 : memref<!tpu.dma_semaphore, #tpu.memory_space<semaphore_mem>>) {add = true}
    }
    %scan3A_286 = arith.constant 125 : i32
    %rem3A_287 = arith.constant 124 : i32
    %rem3A_288 = arith.constant 4 : i32
    %rem3A_289 = arith.remsi %rem3A_287, %rem3A_288 : i32
    %dma_wait3A_290 = arith.constant 0 : i32
    %dma_wait3A_291 = tpu.memref_slice %arg12[%rem3A_289, %dma_wait3A_290] : memref<4x80xf32, #tpu.memory_space<vmem>> -> memref<1x80xf32, #tpu.memory_space<vmem>>
    %dma_wait3A_292 = tpu.memref_squeeze %dma_wait3A_291 : memref<1x80xf32, #tpu.memory_space<vmem>> -> memref<80xf32, #tpu.memory_space<vmem>>
    %dma_wait3A_293 = arith.constant 0 : i32
    %dma_wait3A_294 = tpu.memref_slice %arg11[%rem3A_289, %dma_wait3A_293] : memref<4x80xi32, #tpu.memory_space<vmem>> -> memref<1x80xi32, #tpu.memory_space<vmem>>
    %dma_wait3A_295 = tpu.memref_squeeze %dma_wait3A_294 : memref<1x80xi32, #tpu.memory_space<vmem>> -> memref<80xi32, #tpu.memory_space<vmem>>
    %dma_wait3A_296 = arith.constant 0 : i32
    %dma_wait3A_297 = tpu.memref_slice %arg15[%dma_wait3A_296] : memref<10240xf32, #tpu.memory_space<vmem_shared>> -> memref<10240xf32, #tpu.memory_space<vmem_shared>>
    tpu.wait_indirect_dma semaphore(%arg18 : memref<!tpu.dma_semaphore, #tpu.memory_space<semaphore_mem>>) src(%dma_wait3A_292 : memref<80xf32, #tpu.memory_space<vmem>>) dst(%dma_wait3A_297 : memref<10240xf32, #tpu.memory_space<vmem_shared>>)
    %rem3A_298 = arith.constant 124 : i32
    %rem3A_299 = arith.constant 4 : i32
    %rem3A_300 = arith.remsi %rem3A_298, %rem3A_299 : i32
    %rem3A_301 = arith.constant 124 : i32
    %rem3A_302 = arith.constant 2 : i32
    %rem3A_303 = arith.remsi %rem3A_301, %rem3A_302 : i32
    %dma_wait3A_304 = arith.constant 0 : i32
    %dma_wait3A_305 = arith.constant 0 : i32
    %dma_wait3A_306 = tpu.memref_slice %arg13[%rem3A_303, %dma_wait3A_304, %dma_wait3A_305] : memref<2x80x128xf32, #tpu.memory_space<vmem>> -> memref<1x80x128xf32, #tpu.memory_space<vmem>>
    %dma_wait3A_307 = tpu.memref_squeeze %dma_wait3A_306 : memref<1x80x128xf32, #tpu.memory_space<vmem>> -> memref<80x128xf32, #tpu.memory_space<vmem>>
    %dma_wait3A_308 = arith.constant 0 : i32
    %dma_wait3A_309 = tpu.memref_slice %arg11[%rem3A_300, %dma_wait3A_308] : memref<4x80xi32, #tpu.memory_space<vmem>> -> memref<1x80xi32, #tpu.memory_space<vmem>>
    %dma_wait3A_310 = tpu.memref_squeeze %dma_wait3A_309 : memref<1x80xi32, #tpu.memory_space<vmem>> -> memref<80xi32, #tpu.memory_space<vmem>>
    %dma_wait3A_311 = arith.constant 0 : i32
    %dma_wait3A_312 = arith.constant 0 : i32
    %dma_wait3A_313 = tpu.memref_slice %arg14[%dma_wait3A_311, %dma_wait3A_312] : memref<10000x128xf32, #tpu.memory_space<vmem_shared>> -> memref<10000x128xf32, #tpu.memory_space<vmem_shared>>
    tpu.wait_indirect_dma semaphore(%arg19 : memref<!tpu.dma_semaphore, #tpu.memory_space<semaphore_mem>>) src(%dma_wait3A_307 : memref<80x128xf32, #tpu.memory_space<vmem>>) dst(%dma_wait3A_313 : memref<10000x128xf32, #tpu.memory_space<vmem_shared>>)
    %barrier3A_314 = arith.constant 0 : index
    tpu.barrier barrier_id(%barrier3A_314)
    %lt3A = arith.constant 15 : i32
    %lt3A_315 = arith.cmpi slt, %arg1, %lt3A : i32
    %convert_element_type3A_316 = arith.extui %lt3A_315 : i1 to i32
    %cond3A_317 = arith.constant 0 : i32
    %cond3A_318 = arith.cmpi ne, %convert_element_type3A_316, %cond3A_317 : i32
    scf.if %cond3A_318 {
      %mul3A_328 = arith.constant 624 : i32
      %mul3A_329 = arith.muli %arg1, %mul3A_328 : i32
      %mul3A_330 = arith.constant 624 : i32
      %mul3A_331 = arith.muli %arg1, %mul3A_330 : i32
      "tpu.region"() ({
        %run_scoped3A_332 = tpu.sem_alloc : memref<!tpu.dma_semaphore, #tpu.memory_space<semaphore_mem>>
        %dma_start3A_333 = arith.constant 0 : i32
        %dma_start3A_334 = tpu.memref_slice %arg6[%arg0, %mul3A_331, %dma_start3A_333] : memref<2x10000x128xf32, #tpu.memory_space<hbm>> -> memref<1x624x128xf32, #tpu.memory_space<hbm>>
        %dma_start3A_335 = tpu.memref_squeeze %dma_start3A_334 : memref<1x624x128xf32, #tpu.memory_space<hbm>> -> memref<624x128xf32, #tpu.memory_space<hbm>>
        %dma_start3A_336 = arith.constant 0 : i32
        %dma_start3A_337 = tpu.memref_slice %arg14[%mul3A_329, %dma_start3A_336] : memref<10000x128xf32, #tpu.memory_space<vmem_shared>> -> memref<624x128xf32, #tpu.memory_space<vmem_shared>>
        tpu.enqueue_dma source(%dma_start3A_337 : memref<624x128xf32, #tpu.memory_space<vmem_shared>>) target(%dma_start3A_335 : memref<624x128xf32, #tpu.memory_space<hbm>>) target_semaphore(%run_scoped3A_332 : memref<!tpu.dma_semaphore, #tpu.memory_space<semaphore_mem>>)
        %dma_wait3A_338 = arith.constant 0 : i32
        %dma_wait3A_339 = tpu.memref_slice %arg6[%arg0, %mul3A_331, %dma_wait3A_338] : memref<2x10000x128xf32, #tpu.memory_space<hbm>> -> memref<1x624x128xf32, #tpu.memory_space<hbm>>
        %dma_wait3A_340 = tpu.memref_squeeze %dma_wait3A_339 : memref<1x624x128xf32, #tpu.memory_space<hbm>> -> memref<624x128xf32, #tpu.memory_space<hbm>>
        %dma_wait3A_341 = arith.constant 0 : i32
        %dma_wait3A_342 = tpu.memref_slice %arg14[%mul3A_329, %dma_wait3A_341] : memref<10000x128xf32, #tpu.memory_space<vmem_shared>> -> memref<624x128xf32, #tpu.memory_space<vmem_shared>>
        tpu.wait_dma2 semaphore(%run_scoped3A_332 : memref<!tpu.dma_semaphore, #tpu.memory_space<semaphore_mem>>) src(%dma_wait3A_342 : memref<624x128xf32, #tpu.memory_space<vmem_shared>>) dst(%dma_wait3A_340 : memref<624x128xf32, #tpu.memory_space<hbm>>)
        tpu.yield
      }) : () -> ()
    } else {
    }
    %eq3A_319 = arith.constant 15 : i32
    %eq3A_320 = arith.cmpi eq, %arg1, %eq3A_319 : i32
    %convert_element_type3A_321 = arith.extui %eq3A_320 : i1 to i32
    %cond3A_322 = arith.constant 0 : i32
    %cond3A_323 = arith.cmpi ne, %convert_element_type3A_321, %cond3A_322 : i32
    scf.if %cond3A_323 {
      "tpu.region"() ({
        %run_scoped3A_328 = tpu.sem_alloc : memref<!tpu.dma_semaphore, #tpu.memory_space<semaphore_mem>>
        %dma_start3A_329 = arith.constant 9360 : i32
        %dma_start3A_330 = arith.constant 0 : i32
        %dma_start3A_331 = tpu.memref_slice %arg6[%arg0, %dma_start3A_329, %dma_start3A_330] : memref<2x10000x128xf32, #tpu.memory_space<hbm>> -> memref<1x640x128xf32, #tpu.memory_space<hbm>>
        %dma_start3A_332 = tpu.memref_squeeze %dma_start3A_331 : memref<1x640x128xf32, #tpu.memory_space<hbm>> -> memref<640x128xf32, #tpu.memory_space<hbm>>
        %dma_start3A_333 = arith.constant 9360 : i32
        %dma_start3A_334 = arith.constant 0 : i32
        %dma_start3A_335 = tpu.memref_slice %arg14[%dma_start3A_333, %dma_start3A_334] : memref<10000x128xf32, #tpu.memory_space<vmem_shared>> -> memref<640x128xf32, #tpu.memory_space<vmem_shared>>
        tpu.enqueue_dma source(%dma_start3A_335 : memref<640x128xf32, #tpu.memory_space<vmem_shared>>) target(%dma_start3A_332 : memref<640x128xf32, #tpu.memory_space<hbm>>) target_semaphore(%run_scoped3A_328 : memref<!tpu.dma_semaphore, #tpu.memory_space<semaphore_mem>>)
        %dma_wait3A_336 = arith.constant 9360 : i32
        %dma_wait3A_337 = arith.constant 0 : i32
        %dma_wait3A_338 = tpu.memref_slice %arg6[%arg0, %dma_wait3A_336, %dma_wait3A_337] : memref<2x10000x128xf32, #tpu.memory_space<hbm>> -> memref<1x640x128xf32, #tpu.memory_space<hbm>>
        %dma_wait3A_339 = tpu.memref_squeeze %dma_wait3A_338 : memref<1x640x128xf32, #tpu.memory_space<hbm>> -> memref<640x128xf32, #tpu.memory_space<hbm>>
        %dma_wait3A_340 = arith.constant 9360 : i32
        %dma_wait3A_341 = arith.constant 0 : i32
        %dma_wait3A_342 = tpu.memref_slice %arg14[%dma_wait3A_340, %dma_wait3A_341] : memref<10000x128xf32, #tpu.memory_space<vmem_shared>> -> memref<640x128xf32, #tpu.memory_space<vmem_shared>>
        tpu.wait_dma2 semaphore(%run_scoped3A_328 : memref<!tpu.dma_semaphore, #tpu.memory_space<semaphore_mem>>) src(%dma_wait3A_342 : memref<640x128xf32, #tpu.memory_space<vmem_shared>>) dst(%dma_wait3A_339 : memref<640x128xf32, #tpu.memory_space<hbm>>)
        tpu.yield
      }) : () -> ()
    } else {
    }
    %mul3A_324 = arith.constant 640 : i32
    %mul3A_325 = arith.muli %arg1, %mul3A_324 : i32
    %mul3A_326 = arith.constant 640 : i32
    %mul3A_327 = arith.muli %arg1, %mul3A_326 : i32
    "tpu.region"() ({
      %run_scoped3A_328 = tpu.sem_alloc : memref<!tpu.dma_semaphore, #tpu.memory_space<semaphore_mem>>
      %dma_start3A_329 = tpu.memref_slice %arg7[%arg0, %mul3A_327] : memref<2x10240xf32, #tpu.memory_space<hbm>> -> memref<1x640xf32, #tpu.memory_space<hbm>>
      %dma_start3A_330 = tpu.memref_squeeze %dma_start3A_329 : memref<1x640xf32, #tpu.memory_space<hbm>> -> memref<640xf32, #tpu.memory_space<hbm>>
      %dma_start3A_331 = tpu.memref_slice %arg15[%mul3A_325] : memref<10240xf32, #tpu.memory_space<vmem_shared>> -> memref<640xf32, #tpu.memory_space<vmem_shared>>
      tpu.enqueue_dma source(%dma_start3A_331 : memref<640xf32, #tpu.memory_space<vmem_shared>>) target(%dma_start3A_330 : memref<640xf32, #tpu.memory_space<hbm>>) target_semaphore(%run_scoped3A_328 : memref<!tpu.dma_semaphore, #tpu.memory_space<semaphore_mem>>)
      %dma_wait3A_332 = tpu.memref_slice %arg7[%arg0, %mul3A_327] : memref<2x10240xf32, #tpu.memory_space<hbm>> -> memref<1x640xf32, #tpu.memory_space<hbm>>
      %dma_wait3A_333 = tpu.memref_squeeze %dma_wait3A_332 : memref<1x640xf32, #tpu.memory_space<hbm>> -> memref<640xf32, #tpu.memory_space<hbm>>
      %dma_wait3A_334 = tpu.memref_slice %arg15[%mul3A_325] : memref<10240xf32, #tpu.memory_space<vmem_shared>> -> memref<640xf32, #tpu.memory_space<vmem_shared>>
      tpu.wait_dma2 semaphore(%run_scoped3A_328 : memref<!tpu.dma_semaphore, #tpu.memory_space<semaphore_mem>>) src(%dma_wait3A_334 : memref<640xf32, #tpu.memory_space<vmem_shared>>) dst(%dma_wait3A_333 : memref<640xf32, #tpu.memory_space<hbm>>)
      tpu.yield
    }) : () -> ()
    return
  }
}

module attributes {stable_mosaic.version = 14 : i64} {
  func.func @_dense_body(%arg0: i32, %arg1: memref<1000x128xf32, #tpu.memory_space<vmem>>, %arg2: memref<128x128xf32, #tpu.memory_space<vmem>>, %arg3: memref<128x2xf32, #tpu.memory_space<vmem>>, %arg4: memref<1000x128xf32, #tpu.memory_space<vmem>>, %arg5: memref<1000x1xf32, #tpu.memory_space<vmem>>, %arg6: memref<1000x1xf32, #tpu.memory_space<vmem>>) attributes {dimension_semantics = [#tpu.dimension_semantics<arbitrary>], iteration_bounds = array<i64: 10>, scalar_prefetch = 0 : i64, scratch_operands = 0 : i64, tpu.core_type = #tpu.core_type<tc>, window_params = [{transform_indices = @transform_0, window_bounds = array<i64: 1000, 128>}, {pipeline_mode = #tpu.pipeline_mode<synchronous>, transform_indices = @transform_1, window_bounds = array<i64: 128, 128>}, {pipeline_mode = #tpu.pipeline_mode<synchronous>, transform_indices = @transform_2, window_bounds = array<i64: 128, 2>}, {transform_indices = @transform_3, window_bounds = array<i64: 1000, 128>}, {transform_indices = @transform_4, window_bounds = array<i64: 1000, 1>}, {transform_indices = @transform_5, window_bounds = array<i64: 1000, 1>}]} {
    %get3A = arith.constant 0 : index
    %get3A_0 = arith.constant 0 : index
    %get3A_1 = vector.load %arg1[%get3A, %get3A_0] : memref<1000x128xf32, #tpu.memory_space<vmem>>, vector<1000x128xf32>
    %get3A_2 = arith.constant 0 : index
    %get3A_3 = arith.constant 0 : index
    %get3A_4 = vector.load %arg2[%get3A_2, %get3A_3] : memref<128x128xf32, #tpu.memory_space<vmem>>, vector<128x128xf32>
    %dot_general3A = arith.constant dense<0.000000e+00> : vector<1000x128xf32>
    %dot_general3A_5 = tpu.matmul %get3A_1, %get3A_4, %dot_general3A {dimension_numbers = #tpu.dot_dimension_numbers<[1], [1], [0], [0], [0, 0, 1, 0], [], []>, transpose_lhs_hint = false} : vector<1000x128xf32>, vector<128x128xf32>, vector<1000x128xf32> -> vector<1000x128xf32>
    %swap3A = arith.constant 0 : index
    %swap3A_6 = arith.constant 0 : index
    %swap3A_7 = vector.load %arg4[%swap3A, %swap3A_6] : memref<1000x128xf32, #tpu.memory_space<vmem>>, vector<1000x128xf32>
    tpu.vector_store %arg4[%swap3A, %swap3A_6], %dot_general3A_5 {strides = array<i32>} : memref<1000x128xf32, #tpu.memory_space<vmem>>, vector<1000x128xf32>,
    %get3A_8 = arith.constant 0 : index
    %get3A_9 = arith.constant 0 : index
    %get3A_10 = vector.load %arg3[%get3A_8, %get3A_9] : memref<128x2xf32, #tpu.memory_space<vmem>>, vector<128x2xf32>
    %dot_general3A_11 = arith.constant dense<0.000000e+00> : vector<1000x2xf32>
    %dot_general3A_12 = tpu.matmul %dot_general3A_5, %get3A_10, %dot_general3A_11 {dimension_numbers = #tpu.dot_dimension_numbers<[1], [0], [0], [1], [0, 0, 1, 1], [], []>, transpose_lhs_hint = false} : vector<1000x128xf32>, vector<128x2xf32>, vector<1000x2xf32> -> vector<1000x2xf32>
    %slice3A = vector.extract_strided_slice %dot_general3A_12 {offsets = [0, 0], sizes = [1000, 1], strides = [1, 1]} : vector<1000x2xf32> to vector<1000x1xf32>
    %swap3A_13 = arith.constant 0 : index
    %swap3A_14 = arith.constant 0 : index
    %swap3A_15 = vector.load %arg5[%swap3A_13, %swap3A_14] : memref<1000x1xf32, #tpu.memory_space<vmem>>, vector<1000x1xf32>
    tpu.vector_store %arg5[%swap3A_13, %swap3A_14], %slice3A {strides = array<i32>} : memref<1000x1xf32, #tpu.memory_space<vmem>>, vector<1000x1xf32>,
    %slice3A_16 = vector.extract_strided_slice %dot_general3A_12 {offsets = [0, 1], sizes = [1000, 1], strides = [1, 1]} : vector<1000x2xf32> to vector<1000x1xf32>
    %swap3A_17 = arith.constant 0 : index
    %swap3A_18 = arith.constant 0 : index
    %swap3A_19 = vector.load %arg6[%swap3A_17, %swap3A_18] : memref<1000x1xf32, #tpu.memory_space<vmem>>, vector<1000x1xf32>
    tpu.vector_store %arg6[%swap3A_17, %swap3A_18], %slice3A_16 {strides = array<i32>} : memref<1000x1xf32, #tpu.memory_space<vmem>>, vector<1000x1xf32>,
    return
  }
  func.func @transform_0(%arg0: i32) -> (i32, i32) {
    %c0_i32 = arith.constant 0 : i32
    %c0_i32_0 = arith.constant 0 : i32
    return %arg0, %c0_i32 : i32, i32
  }
  func.func @transform_1(%arg0: i32) -> (i32, i32) {
    %c0_i32 = arith.constant 0 : i32
    %c0_i32_0 = arith.constant 0 : i32
    %c0_i32_1 = arith.constant 0 : i32
    return %c0_i32, %c0_i32_0 : i32, i32
  }
  func.func @transform_2(%arg0: i32) -> (i32, i32) {
    %c0_i32 = arith.constant 0 : i32
    %c0_i32_0 = arith.constant 0 : i32
    %c0_i32_1 = arith.constant 0 : i32
    return %c0_i32, %c0_i32_0 : i32, i32
  }
  func.func @transform_3(%arg0: i32) -> (i32, i32) {
    %c0_i32 = arith.constant 0 : i32
    %c0_i32_0 = arith.constant 0 : i32
    return %arg0, %c0_i32 : i32, i32
  }
  func.func @transform_4(%arg0: i32) -> (i32, i32) {
    %c0_i32 = arith.constant 0 : i32
    %c0_i32_0 = arith.constant 0 : i32
    return %arg0, %c0_i32 : i32, i32
  }
  func.func @transform_5(%arg0: i32) -> (i32, i32) {
    %c0_i32 = arith.constant 0 : i32
    %c0_i32_0 = arith.constant 0 : i32
    return %arg0, %c0_i32 : i32, i32
  }
}

module attributes {stable_mosaic.version = 14 : i64} {
  func.func @_norm_body(%arg0: i32, %arg1: memref<2x1000x128xf32, #tpu.memory_space<vmem>>, %arg2: memref<2x1000x1xf32, #tpu.memory_space<vmem>>, %arg3: memref<1000x1x128xf32, #tpu.memory_space<vmem>>) attributes {dimension_semantics = [#tpu.dimension_semantics<arbitrary>], iteration_bounds = array<i64: 10>, scalar_prefetch = 0 : i64, scratch_operands = 0 : i64, tpu.core_type = #tpu.core_type<tc>, window_params = [{transform_indices = @transform_0, window_bounds = array<i64: 2, 1000, 128>}, {transform_indices = @transform_1, window_bounds = array<i64: 2, 1000, 1>}, {transform_indices = @transform_2, window_bounds = array<i64: 1000, 1, 128>}]} {
    %get3A = arith.constant 0 : index
    %get3A_0 = arith.constant 0 : index
    %get3A_1 = arith.constant 0 : index
    %get3A_2 = vector.load %arg1[%get3A, %get3A_0, %get3A_1] : memref<2x1000x128xf32, #tpu.memory_space<vmem>>, vector<1x1000x128xf32>
    %get3A_3 = vector.shape_cast %get3A_2 : vector<1x1000x128xf32> to vector<1000x128xf32>
    %get3A_4 = arith.constant 1 : index
    %get3A_5 = arith.constant 0 : index
    %get3A_6 = arith.constant 0 : index
    %get3A_7 = vector.load %arg1[%get3A_4, %get3A_5, %get3A_6] : memref<2x1000x128xf32, #tpu.memory_space<vmem>>, vector<1x1000x128xf32>
    %get3A_8 = vector.shape_cast %get3A_7 : vector<1x1000x128xf32> to vector<1000x128xf32>
    %add3A = arith.addf %get3A_3, %get3A_8 : vector<1000x128xf32>
    %get3A_9 = arith.constant 0 : index
    %get3A_10 = arith.constant 0 : index
    %get3A_11 = arith.constant 0 : index
    %get3A_12 = vector.load %arg2[%get3A_9, %get3A_10, %get3A_11] : memref<2x1000x1xf32, #tpu.memory_space<vmem>>, vector<1x1000x1xf32>
    %get3A_13 = vector.shape_cast %get3A_12 : vector<1x1000x1xf32> to vector<1000x1xf32>
    %get3A_14 = arith.constant 1 : index
    %get3A_15 = arith.constant 0 : index
    %get3A_16 = arith.constant 0 : index
    %get3A_17 = vector.load %arg2[%get3A_14, %get3A_15, %get3A_16] : memref<2x1000x1xf32, #tpu.memory_space<vmem>>, vector<1x1000x1xf32>
    %get3A_18 = vector.shape_cast %get3A_17 : vector<1x1000x1xf32> to vector<1000x1xf32>
    %add3A_19 = arith.addf %get3A_13, %get3A_18 : vector<1000x1xf32>
    %gt3A = arith.constant 0.000000e+00 : f32
    %gt3A_20 = vector.broadcast %gt3A : f32 to vector<1000x1xf32>
    %gt3A_21 = arith.cmpf ogt, %add3A_19, %gt3A_20 : vector<1000x1xf32>
    %jit3A = arith.constant 1.000000e+00 : f32
    %broadcast_in_dim3A = vector.broadcast %jit3A : f32 to vector<1000x1xf32>
    %select_n3A = arith.select %gt3A_21, %add3A_19, %broadcast_in_dim3A : vector<1000x1xi1>, vector<1000x1xf32>
    %div3A = vector.broadcast %select_n3A : vector<1000x1xf32> to vector<1000x128xf32>
    %div3A_22 = arith.divf %add3A, %div3A : vector<1000x128xf32>
    %broadcast_in_dim3A_23 = vector.shape_cast %div3A_22 : vector<1000x128xf32> to vector<1000x1x128xf32>
    %swap3A = arith.constant 0 : index
    %swap3A_24 = arith.constant 0 : index
    %swap3A_25 = arith.constant 0 : index
    %swap3A_26 = vector.load %arg3[%swap3A, %swap3A_24, %swap3A_25] : memref<1000x1x128xf32, #tpu.memory_space<vmem>>, vector<1000x1x128xf32>
    tpu.vector_store %arg3[%swap3A, %swap3A_24, %swap3A_25], %broadcast_in_dim3A_23 {strides = array<i32>} : memref<1000x1x128xf32, #tpu.memory_space<vmem>>, vector<1000x1x128xf32>,
    return
  }
  func.func @transform_0(%arg0: i32) -> (i32, i32, i32) {
    %c0_i32 = arith.constant 0 : i32
    %c0_i32_0 = arith.constant 0 : i32
    %c0_i32_1 = arith.constant 0 : i32
    return %c0_i32, %arg0, %c0_i32_0 : i32, i32, i32
  }
  func.func @transform_1(%arg0: i32) -> (i32, i32, i32) {
    %c0_i32 = arith.constant 0 : i32
    %c0_i32_0 = arith.constant 0 : i32
    %c0_i32_1 = arith.constant 0 : i32
    return %c0_i32, %arg0, %c0_i32_0 : i32, i32, i32
  }
  func.func @transform_2(%arg0: i32) -> (i32, i32, i32) {
    %c0_i32 = arith.constant 0 : i32
    %c0_i32_0 = arith.constant 0 : i32
    %c0_i32_1 = arith.constant 0 : i32
    return %arg0, %c0_i32, %c0_i32_0 : i32, i32, i32
  }
}

</mosaic_0001>

<sc_bundles>
// kernel: kernel.5.cloned.1.call-start
scs
__scs_entry_jumppad:
0x0: {  	(pc) =	sbr.rel $0x88, $3  }
0x1: {  	(tag) =	ssettag $0x0;
	lr =	simm.s32 $0x1  }
0x2: {  	[smem:$0x3F9C] =	sst lr;
	_ =	strace $0xD0000000  }
0x3: {  	_ = 	snop  }
0x4: {  	_ = 	snop  }
0x5: {  	_ = 	snop  }
0x6: {  	_ = 	snop  }
0x7: {  	_ = 	snop  }
__scs_overlays_trampoline_lowered:
0x8: {  	[smem:$0x3FAB] =	sst s0  }
0x9: {  	[smem:$0x3FAC] =	sst s1  }
0xa: {  	[smem:$0x3FAD] =	sst s2  }
0xb: {  	[smem:$0x3FAE] =	sst s3  }
0xc: {  	[smem:$0x3FAF] =	sst s4  }
0xd: {  	[smem:$0x3FB0] =	sst s5  }
0xe: {  	[smem:$0x3FB1] =	sst s6  }
0xf: {  	[smem:$0x3FB2] =	sst s7  }
0x10: {  	[smem:$0x3FB3] =	sst s8  }
0x11: {  	[smem:$0x3FB4] =	sst s9;
	s0 =	simm.s32 @!p0 $0x0  }
0x12: {  	s1 =	sld [smem:$0x3F9A];
	s0 =	simm.s32 @p0 $0x1  }
0x13: {  	[smem:$0x3FB5] =	sst s0;
	s0 =	simm.s32 @!p1 $0x0  }
0x14: {  	s2 =	sld [smem:$0x3F99];
	s0 =	simm.s32 @p1 $0x1  }
0x15: {  	[smem:$0x3FB6] =	sst s0;
	s0 =	simm.s32 @!p2 $0x0  }
0x16: {  	s3 =	sld [smem:$0x3FDB];
	s0 =	simm.s32 @p2 $0x1  }
0x17: {  	s4 =	simm.s32 $0x1BF5;
	[smem:$0x3FB8] =	sst s0  }
0x18: {  	s0 =	sld [smem:$0x3F9B];
	_ =	swait.ge [sflag:s4], $0x0  }
0x19: {  	s7 =	sld [smem:$0x3F9C]  }
0x1a: {  	s8 =	sadd.s32 $0xFFFFE003, lr  }
0x1b: {  	s9 =	sadd.s32 $0xFFFFFEF7, lr;
	s5 =	simm.s32 $0xFFFFFFFF;
	p2 =	slt.u32 s8, $0xFFFFF086  }
0x1c: {  	p1 =	slt.u32 s9, $0xF7A;
	s5 =	simm.s32 @!p2 $0x0  }
0x1d: {  	s5 =	simm.s32 @p1 $0x1;
	p0 =	seq.s32 s7, s2  }
0x1e: {  	s7 =	smul.u32 @!p0 $0xF7A, s2;
	p2 =	seq.s32 @!p0 s5, $0x0  }
0x1f: {  	s9 =	smul.u32 $0xF7A, s1;
	s8 =	simm.s32 @!p0 $0x1BF5;
	p2 =	por !p2, p0  }
0x20: {  	[sflag:s8] =	ssyncset.s32 @!p0 $0xFFFFF086;
	s6 =	sadd.s32 @!p0 s3, s7;
	s7 =	simm.s32 @!p0 $0x108  }
0x21: {  	s3 =	sadd.s32 s3, s9;
	s6 =	sadd.s32 @!p0 $0x88, s6;
	s7 =	simm.s32 @p2 $0x1082  }
0x22: {  	[simem:s7], [sflag:s8] =	dma.local @!p0 [hbm:s6], $0xF7A  }
0x23: {  	s9 =	sor.u32 $0xD0000000, s2;
	s6 =	simm.s32 $0x108;
	_ =	swait.ge @!p0 [sflag:s8], $0x0  }
0x24: {  	s3 =	sadd.s32 $0x88, s3;
	s6 =	simm.s32 @!p1 $0x1082;
	[sflag:s4] =	ssyncset.s32 $0xFFFFF086  }
0x25: {  	[simem:s6], [sflag:s4] =	dma.local [hbm:s3], $0xF7A  }
0x26: {  	[smem:$0x3F9C] =	sst s1;
	(tag) =	ssettag s2;
	_ =	strace s9  }
0x27: {  	s1 =	sld [smem:$0x3FAC]  }
0x28: {  	s2 =	sld [smem:$0x3FAD]  }
0x29: {  	s4 =	sld [smem:$0x3FAF]  }
0x2a: {  	p0 =	seq.s32 s5, $0x0;
	s5 =	sld [smem:$0x3FB0]  }
0x2b: {  	s6 =	sld [smem:$0x3FB1]  }
0x2c: {  	s7 =	sld [smem:$0x3FB2]  }
0x2d: {  	s3 =	simm.s32 $0x108;
	s8 =	sld [smem:$0x3FB3]  }
0x2e: {  	s3 =	simm.s32 @!p0 $0x1082;
	s9 =	sld [smem:$0x3FB4]  }
0x2f: {  	lr =	sadd.s32 s0, s3;
	s0 =	sld [smem:$0x3FAB]  }
0x30: {  	s3 =	sld [smem:$0x3FAE]  }
0x31: {  	[smem:$0x3FB7] =	sst s10  }
0x32: {  	s10 =	sld [smem:$0x3FB5];
	_ =	sdelay $0x3  }
0x33: {  	p0 =	seq.s32 s10, $0x1;
	s10 =	sld [smem:$0x3FB7];
	_ =	sdelay $0x3  }
0x34: {  	[smem:$0x3FB7] =	sst s10  }
0x35: {  	s10 =	sld [smem:$0x3FB6];
	_ =	sdelay $0x3  }
0x36: {  	p1 =	seq.s32 s10, $0x1;
	s10 =	sld [smem:$0x3FB7];
	_ =	sdelay $0x3  }
0x37: {  	[smem:$0x3FB7] =	sst s10  }
0x38: {  	s10 =	sld [smem:$0x3FB8]  }
0x39: {  	_ = 	snop;
	(pc) =	sbr.ind lr, $3  }
0x3a: {  	_ = 	snop  }
0x3b: {  	_ = 	snop  }
0x3c: {  	p2 =	seq.s32 s10, $0x1;
	s10 =	sld [smem:$0x3FB7]  }
0x3d: {  	_ =	shalt  }
0x3e: {  	_ =	shalt  }
0x3f: {  	_ =	shalt  }
0x40: {  	_ =	shalt  }
0x41: {  	_ =	shalt  }
0x42: {  	_ =	shalt  }
0x43: {  	_ =	shalt  }
0x44: {  	_ =	shalt  }
0x45: {  	_ =	shalt  }
0x46: {  	_ =	shalt  }
0x47: {  	_ =	shalt  }
0x48: {  	_ =	shalt  }
0x49: {  	_ =	shalt  }
0x4a: {  	_ =	shalt  }
0x4b: {  	_ =	shalt  }
0x4c: {  	_ =	shalt  }
0x4d: {  	_ =	shalt  }
0x4e: {  	_ =	shalt  }
0x4f: {  	_ =	shalt  }
0x50: {  	_ =	shalt  }
0x51: {  	_ =	shalt  }
0x52: {  	_ =	shalt  }
0x53: {  	_ =	shalt  }
0x54: {  	_ =	shalt  }
0x55: {  	_ =	shalt  }
0x56: {  	_ =	shalt  }
0x57: {  	_ =	shalt  }
0x58: {  	_ =	shalt  }
0x59: {  	_ =	shalt  }
0x5a: {  	_ =	shalt  }
0x5b: {  	_ =	shalt  }
0x5c: {  	_ =	shalt  }
0x5d: {  	_ =	shalt  }
0x5e: {  	_ =	shalt  }
0x5f: {  	_ =	shalt  }
0x60: {  	_ =	shalt  }
0x61: {  	_ =	shalt  }
0x62: {  	_ =	shalt  }
0x63: {  	_ =	shalt  }
0x64: {  	_ =	shalt  }
0x65: {  	_ =	shalt  }
0x66: {  	_ =	shalt  }
0x67: {  	_ =	shalt  }
0x68: {  	_ =	shalt  }
0x69: {  	_ =	shalt  }
0x6a: {  	_ =	shalt  }
0x6b: {  	_ =	shalt  }
0x6c: {  	_ =	shalt  }
0x6d: {  	_ =	shalt  }
0x6e: {  	_ =	shalt  }
0x6f: {  	_ =	shalt  }
0x70: {  	_ =	shalt  }
0x71: {  	_ =	shalt  }
0x72: {  	_ =	shalt  }
0x73: {  	_ =	shalt  }
0x74: {  	_ =	shalt  }
0x75: {  	_ =	shalt  }
0x76: {  	_ =	shalt  }
0x77: {  	_ =	shalt  }
0x78: {  	_ =	shalt  }
0x79: {  	_ =	shalt  }
0x7a: {  	_ =	shalt  }
0x7b: {  	_ =	shalt  }
0x7c: {  	_ =	shalt  }
0x7d: {  	_ =	shalt  }
0x7e: {  	_ =	shalt  }
0x7f: {  	_ =	shalt  }
0x80: {  	_ =	shalt  }
0x81: {  	_ =	shalt  }
0x82: {  	_ =	shalt  }
0x83: {  	_ =	shalt  }
0x84: {  	_ =	shalt  }
0x85: {  	_ =	shalt  }
0x86: {  	_ =	shalt  }
0x87: {  	_ =	shalt  }
.Lfunc_end0:
.L_simem_size_0:
called_computation_lowered:
.L_overlay_start_0:
0x88: {  	s2 =	sld [smem:$0x3FD9]  }
0x89: {  	s3 =	sld [smem:$0x3FFE];
	_ =	sdelay $0x1  }
0x8a: {  	s1 =	srdreg.scid  }
0x8b: {  	s0 =	sand.u32 $0x1, s1  }
0x8c: {  	s17 =	sshll.u32 s0, $0xA;
	s2 =	sadd.s32 s3, s2  }
0x8d: {  	s2 =	sadd.s32 s2, s17  }
0x8e: {  	[smem:$0x3FC3] =	sst s2  }
0x8f: {  	_ = 	snop  }
0x90: {  	s2 =	sld [smem:$0x3FD0];
	(tm) =	ssettm $0x1  }
0x91: {  	s18 =	sld [smem:$0x3FFB];
	_ =	sdelay $0x3  }
0x92: {  	_ =	strace s18  }
0x93: {  	s3 =	sld [smem:$0x3FFC];
	_ =	sdelay $0x3  }
0x94: {  	_ =	strace s3  }
0x95: {  	s3 =	sld [smem:$0x3FFD];
	_ =	sdelay $0x3  }
0x96: {  	_ =	strace s3  }
0x97: {  	_ =	strace $0x8FFFFFFF  }
0x98: {  	s19 =	sld [smem:$0x3FDB];
	_ =	sdelay $0x1  }
0x99: {  	s4 =	simm.s32 $_scs_section_size  }
0x9a: {  	s5 =	simm.s32 $_size__tile_overlayer_lowered;
	s6 =	simm.s32 $_tile_overlayer_lowered  }
0x9b: {  	s22 =	simm.s32 $0x1BFF;
	s21 =	sshll.u32 s6, $0x1;
	s3 =	sadd.s32 s4, s19  }
0x9c: {  	s7 =	simm.s32 $0x0;
	s20 =	sshll.u32 s5, $0x1;
	s5 =	sadd.s32 s21, s3  }
0x9d: {  	[timem:s7], [sflag:s22] =	dma.local [hbm:s5], s20  }
0x9e: {  	_ =	swait.ge [sflag:s22], s20  }
0x9f: {  	s4 =	ssub.s32 $0x0, s20;
	[sflag:s22] =	ssyncset.done $0x0  }
0xa0: {  	[sflag:s22] =	ssyncadd.s32 s4;
	_ =	sdelay $0x1  }
0xa1: {  	s23 =	simm.s32 $0x1B8B  }
0xa2: {  	_ =	swait.ge [sflag:s23], $0x1  }
0xa3: {  	[sflag:s23] =	ssyncset.done $0x0  }
0xa4: {  	s25 =	simm.s32 $0x1B8E;
	s24 =	sld [smem:$0x3FFE];
	[sflag:s23] =	ssyncadd.s32 $0xFFFFFFFF  }
0xa5: {  	s26 =	simm.s32 $execute0_lowered;
	[smem:$0x3FD2] =	sst s25  }
0xa6: {  	s5 =	sshll.u32 s26, $0x1;
	_ =	strace $0x80000046;
	[dreg:$0x1] =	wrdreg $0xFFFFFFFF  }
0xa7: {  	s28 =	simm.s32 $_size_execute0_lowered;
	s3 =	sadd.s32 s3, s5;
	[dreg:$0x0] =	wrdreg $0x0  }
0xa8: {  	s5 =	sshll.u32 s28, $0x1;
	[dreg:$0x2] =	wrdreg s3  }
0xa9: {  	[dreg:$0x3] =	wrdreg s5  }
0xaa: {  	[dreg:$0x4] =	wrdreg $0xC0  }
0xab: {  	_ =	task [dreg:s7], $0x5FFFF  }
0xac: {  	[dreg:$0x1] =	wrdreg $0xFFFFFFFF  }
0xad: {  	[dreg:$0x0] =	wrdreg $0x60  }
0xae: {  	[dreg:$0x2] =	wrdreg s2  }
0xaf: {  	[dreg:$0x3] =	wrdreg s24  }
0xb0: {  	[dreg:$0x4] =	wrdreg $0xA5000  }
0xb1: {  	[dreg:$0x5] =	wrdreg $0x1DD800  }
0xb2: {  	[dreg:$0x6] =	wrdreg $0x9  }
0xb3: {  	_ =	task.clear_ibuf [dreg:s7], $0x7FFFF;
	_ =	strace $0x90000046  }
0xb4: {  	s29 =	simm.s32 $0x9;
	_ =	strace $0x80000048  }
0xb5: {  	_ =	swait.ge [sflag:s29], $0x1  }
0xb6: {  	[sflag:s29] =	ssyncadd.s32 $0xFFFFFFFF  }
0xb7: {  	_ =	strace $0x90000048  }
0xb8: {  	_ =	sfence  }
0xb9: {  	s30 =	sld [smem:$0x0];
	_ =	sdelay $0x2  }
0xba: {  	s31 =	sshll.u32 s1, $0xD;
	s1 =	sshrl.u32 s1, $0x2  }
0xbb: {  	s3 =	sand.u32 $0x4000, s31;
	s1 =	sadd.s32 s1, s30  }
0xbc: {  	s0 =	sor.u32 s3, s0;
	s1 =	sshll.u32 s1, $0x11  }
0xbd: {  	s0 =	sor.u32 s1, s0  }
0xbe: {  	s0 =	sadd.s32 $0x8F2B, s0  }
0xbf: {  	[sflag:s0] =	ssyncadd.remote.s32 $0x1  }
0xc0: {  	_ =	sfence.sel $0xFFFF  }
0xc1: {  	[dreg:$0x0] =	wrdreg $0xFFFFFFFF;
	(pc) =	sbr.abs _section_cstart, $3  }
0xc2: {  	[dreg:$0x1] =	wrdreg $0xFFFFFFFF  }
0xc3: {  	_ =	task.clear_ibuf [dreg:s7], $0x2FFFF;
	_ =	strace $0x9FFFFFFF  }
0xc4: {  	(tm) =	ssettm $0x7FFFFFFF  }
0xc5: {  	_ =	shalt  }
tec
execute0_lowered:
.L_overlay_start_1:
0x0: {  	(tag) =	ssettag $0x1  }
0x1: {  	s1 =	rddreg [dreg:$0x0]  }
0x2: {  	s0 =	rddreg [dreg:$0x1]  }
0x3: {  	s2 =	rddreg [dreg:$0x2]  }
0x4: {  	s3 =	rddreg [dreg:$0x3];
	s5 =	simm.s32 $0x0;
	s6 =	srdreg.scid  }
0x5: {  	s4 =	stileid.u32;
	[smem:$0x7FF] =	sst s5  }
0x6: {  	s6 =	sand.u32 $0x1, s6;
	s7 =	smul.u32 $0x500, s4;
	s8 =	sadd.s32 $0x20800, s0  }
0x7: {  	s26 =	sadd.s32 $0x20E00, s0;
	s28 =	smul.u32 $0x4E000, s4;
	s10 =	sadd.s32 $0x21E00, s0  }
0x8: {  	s12 =	sshll.u32 s4, $0xF;
	s15 =	smul.u32 $0x13800, s4;
	s16 =	sadd.s32 $0x136000, s2  }
0x9: {  	s17 =	smul.u32 $0xA00, s4;
	_ =	strace $0x80000047;
	[dreg:$0x5] =	wrdreg s8  }
0xa: {  	p0 =	seq.s32 s4, $0xF;
	p1 =	sne.s32 s4, $0xF;
	[dreg:$0x6] =	wrdreg s26  }
0xb: {  	s9 =	sshll.u32 s6, $0x7;
	s8 =	sadd.s32 $0x800, s0;
	s11 =	ssub.s32 $0x2, s6  }
0xc: {  	s13 =	sshll.u32 s6, $0xE;
	s6 =	smul.u32 $0x138800, s6;
	[dreg:$0x8] =	wrdreg s16  }
0xd: {  	s16 =	simm.s32 $0x1;
	s7 =	sor.u32 s9, s7;
	s29 =	sshrl.u32 s11, $0x1  }
0xe: {  	s9 =	sshrl.u32 s28, $0x2;
	s19 =	sshrl.u32 s17, $0x2;
	s7 =	sshrl.u32 s7, $0x3  }
0xf: {  	s9 =	sadd.s32 s9, s2;
	s15 =	sadd.s32 s15, s6;
	s6 =	sshrl.u32 s6, $0x3  }
0x10: {  	s21 =	sadd.s32 s19, s3;
	s19 =	simm.s32 $0x50;
	s30 =	sadd.s32 $0x11800, s9  }
0x11: {  	s0 =	sadd.s32 s7, s0;
	s22 =	sadd.s32 $0x2800, s9;
	[dreg:$0x7] =	wrdreg s30  }
0x12: {  	s7 =	ssub.s32 s11, s29;
	s23 =	sadd.s32 $0x5000, s9;
	[dreg:$0x10] =	wrdreg s22  }
0x13: {  	s11 =	sor.u32 s13, s12;
	s24 =	sadd.s32 $0x7800, s9;
	[dreg:$0x11] =	wrdreg s23  }
0x14: {  	s6 =	sadd.s32 s10, s6;
	s25 =	sadd.s32 $0xA000, s9;
	[dreg:$0x13] =	wrdreg s24  }
0x15: {  	s26 =	sadd.s32 $0xC800, s9;
	s28 =	sadd.s32 $0xF000, s9;
	[dreg:$0x14] =	wrdreg s25  }
0x16: {  	s29 =	sadd.s32 $0x80, s21;
	s13 =	sshrl.u32 s11, $0x3;
	[dreg:$0x15] =	wrdreg s26  }
0x17: {  	s12 =	sor.u32 $0x80000, s11;
	s6 =	sadd.s32 $0x24900, s6;
	[dreg:$0x16] =	wrdreg s28  }
0x18: {  	s0 =	sadd.s32 $0x21400, s0;
	s20 =	smax.u32 s7, $0x1;
	[dreg:$0x17] =	wrdreg s29  }
0x19: {  	s30 =	sadd.s32 $0x100, s21;
	s7 =	sadd.s32 $0x200, s21;
	[dreg:$0xd] =	wrdreg s6  }
0x1a: {  	s22 =	simm.s32 $0x4;
	s23 =	simm.s32 $0x3;
	[dreg:$0xe] =	wrdreg s0  }
0x1b: {  	s24 =	simm.s32 $0x2;
	s14 =	sshrl.u32 s12, $0x3;
	[dreg:$0xf] =	wrdreg s20  }
0x1c: {  	s13 =	sadd.s32 s8, s13;
	[dreg:$0x18] =	wrdreg s30;
	s14 =	sadd.s32 s8, s14  }
0x1d: {  	s25 =	simm.s32 $0x0;
	s31 =	sadd.s32 $0x10, s13;
	[dreg:$0x9] =	wrdreg s14  }
0x1e: {  	s18 =	sadd.s32 $0x10010, s13;
	[dreg:$0xa] =	wrdreg s31;
	s14 =	sshrl.u32 s15, $0x3  }
0x1f: {  	s20 =	simm.s32 $0x5300;
	[dreg:$0xb] =	wrdreg s18;
	s10 =	sadd.s32 s10, s14  }
0x20: {  	s31 =	sadd.s32 $0x180, s21;
	[dreg:$0xc] =	wrdreg s10;
	s10 =	sadd.s32 $0x124800, s2  }
0x21: {  	s15 =	simm.s32 $0x5;
	[dreg:$0x19] =	wrdreg s31;
	s0 =	sshrl.u32 @p0 s10, $0x3  }
0x22: {  	v0 =	vimm.f32 $0.0e+00;
	s14 =	simm.s32 $0x5500;
	s10 =	simm.s32 $0x2780;
	[dreg:$0x12] =	wrdreg s0  }
.LBB2_1:
0x23: {  	s0 =	rddreg [dreg:$0x5]  }
0x24: {  	[tilespmem:s5], [sflag:$0x1] =	stream.linear.gather [hbm4b:s0+s5], $0x2780, $0x38;
	[tilespmem:$0x1E000] =	vst v63  }
0x25: {  	s31 =	rddreg [dreg:$0x6];
	s17 =	simm.s32 $0x0;
	s18 =	simm.s32 $0x200  }
0x26: {  	[tilespmem:s10], [sflag:$0x1] =	stream.linear.gather [hbm4b:s31+s5], $0x2780, $0x38;
	[tilespmem:$0x1E000] =	vst v63  }
.LBB2_2:
0x27: {  	p2 =	sne.s32 s18, $0x9E00;
	[tilespmem:s17+$0x5570] =	vst v0  }
0x28: {  	[tilespmem:s17+$0x5500] =	vst v0  }
0x29: {  	[tilespmem:s17+$0x5510] =	vst v0  }
.Ltmp0:
0x2a: {  	[tilespmem:s17+$0x5520] =	vst v0;
	(pc) =	sbr.rel @p2 .LBB2_2-.Ltmp0, $4  }
0x2b: {  	[tilespmem:s17+$0x5530] =	vst v0  }
0x2c: {  	[tilespmem:s17+$0x5540] =	vst v0  }
0x2d: {  	[tilespmem:s17+$0x5550] =	vst v0  }
0x2e: {  	[tilespmem:s17+$0x5560] =	vst v0;
	s17 =	sshra.s32 s18, $0x2;
	s18 =	sadd.s32 $0x200, s18  }
0x2f: {  	[tilespmem:s17+$0x5570] =	vst v0  }
0x30: {  	[tilespmem:s17+$0x5500] =	vst v0  }
0x31: {  	[tilespmem:s17+$0x5510] =	vst v0  }
0x32: {  	[tilespmem:s17+$0x5520] =	vst v0  }
0x33: {  	[tilespmem:s17+$0x5530] =	vst v0  }
0x34: {  	[tilespmem:s17+$0x5540] =	vst v0  }
0x35: {  	[tilespmem:s17+$0x5550] =	vst v0  }
0x36: {  	[tilespmem:s17+$0x5560] =	vst v0  }
0x37: {  	[spmem:s9] =	stream.linear.scatter [tilespmem:s14], [sflag:$0x5], $0x2800, $0x38;
	[tilespmem:$0x1E000] =	vst v63  }
0x38: {  	_ =	swait.ge [sflag:s15], $0x2800  }
0x39: {  	[sflag:s15] =	ssyncset.done $0x0  }
0x3a: {  	s0 =	rddreg [dreg:$0x10];
	[sflag:s15] =	ssyncadd.s32 $0xFFFFD800  }
0x3b: {  	[spmem:s0] =	stream.linear.scatter [tilespmem:s14], [sflag:$0x5], $0x2800, $0x38;
	[tilespmem:$0x1E000] =	vst v63  }
0x3c: {  	_ =	swait.ge [sflag:s15], $0x2800  }
0x3d: {  	[sflag:s15] =	ssyncset.done $0x0  }
0x3e: {  	s6 =	rddreg [dreg:$0x11];
	[sflag:s15] =	ssyncadd.s32 $0xFFFFD800  }
0x3f: {  	[spmem:s6] =	stream.linear.scatter [tilespmem:s14], [sflag:$0x5], $0x2800, $0x38;
	[tilespmem:$0x1E000] =	vst v63  }
0x40: {  	_ =	swait.ge [sflag:s15], $0x2800  }
0x41: {  	[sflag:s15] =	ssyncset.done $0x0  }
0x42: {  	s17 =	rddreg [dreg:$0x13];
	[sflag:s15] =	ssyncadd.s32 $0xFFFFD800  }
0x43: {  	[spmem:s17] =	stream.linear.scatter [tilespmem:s14], [sflag:$0x5], $0x2800, $0x38;
	[tilespmem:$0x1E000] =	vst v63  }
0x44: {  	_ =	swait.ge [sflag:s15], $0x2800  }
0x45: {  	[sflag:s15] =	ssyncset.done $0x0  }
0x46: {  	s18 =	rddreg [dreg:$0x14];
	[sflag:s15] =	ssyncadd.s32 $0xFFFFD800  }
0x47: {  	[spmem:s18] =	stream.linear.scatter [tilespmem:s14], [sflag:$0x5], $0x2800, $0x38;
	[tilespmem:$0x1E000] =	vst v63  }
0x48: {  	_ =	swait.ge [sflag:s15], $0x2800  }
0x49: {  	[sflag:s15] =	ssyncset.done $0x0  }
0x4a: {  	s26 =	rddreg [dreg:$0x15];
	[sflag:s15] =	ssyncadd.s32 $0xFFFFD800  }
0x4b: {  	[spmem:s26] =	stream.linear.scatter [tilespmem:s14], [sflag:$0x5], $0x2800, $0x38;
	[tilespmem:$0x1E000] =	vst v63  }
0x4c: {  	_ =	swait.ge [sflag:s15], $0x2800  }
0x4d: {  	[sflag:s15] =	ssyncset.done $0x0  }
0x4e: {  	s28 =	rddreg [dreg:$0x16];
	[sflag:s15] =	ssyncadd.s32 $0xFFFFD800  }
0x4f: {  	[spmem:s28] =	stream.linear.scatter [tilespmem:s14], [sflag:$0x5], $0x2800, $0x38;
	[tilespmem:$0x1E000] =	vst v63  }
0x50: {  	_ =	swait.ge [sflag:s15], $0x2800  }
0x51: {  	[sflag:s15] =	ssyncset.done $0x0  }
0x52: {  	s29 =	rddreg [dreg:$0x7];
	[sflag:s15] =	ssyncadd.s32 $0xFFFFD800  }
0x53: {  	[spmem:s29] =	stream.linear.scatter [tilespmem:s14], [sflag:$0x5], $0x2000, $0x38;
	[tilespmem:$0x1E000] =	vst v63  }
0x54: {  	_ =	swait.ge [sflag:s15], $0x2000  }
0x55: {  	[sflag:s15] =	ssyncset.done $0x0  }
0x56: {  	s17 =	simm.s32 @!p1 $0x5500;
	s0 =	rddreg [dreg:$0x8];
	[sflag:s15] =	ssyncadd.s32 $0xFFFFE000  }
0x57: {  	[spmem:s0] =	stream.linear.scatter @!p1 [tilespmem:s17], [sflag:$0x5], $0x2800, $0x38;
	[tilespmem:$0x1E000] =	vst v63  }
0x58: {  	s17 =	simm.s32 @!p1 $0x5  }
0x59: {  	_ =	swait.ge @!p1 [sflag:s17], $0x2800  }
0x5a: {  	[sflag:s17] =	ssyncset.done @!p1 $0x0  }
0x5b: {  	[sflag:s17] =	ssyncadd.s32 @!p1 $0xFFFFD800  }
0x5c: {  	[spmem:s21] =	stream.linear.scatter [tilespmem:s14], [sflag:$0x5], $0x80, $0x38;
	[tilespmem:$0x1E000] =	vst v63  }
0x5d: {  	_ =	swait.ge [sflag:s15], $0x80  }
0x5e: {  	[sflag:s15] =	ssyncset.done $0x0  }
0x5f: {  	s30 =	rddreg [dreg:$0x17];
	[sflag:s15] =	ssyncadd.s32 $0xFFFFFF80  }
0x60: {  	[spmem:s30] =	stream.linear.scatter [tilespmem:s14], [sflag:$0x5], $0x80, $0x38;
	[tilespmem:$0x1E000] =	vst v63  }
0x61: {  	_ =	swait.ge [sflag:s15], $0x80  }
0x62: {  	[sflag:s15] =	ssyncset.done $0x0  }
0x63: {  	s31 =	rddreg [dreg:$0x18];
	[sflag:s15] =	ssyncadd.s32 $0xFFFFFF80  }
0x64: {  	[spmem:s31] =	stream.linear.scatter [tilespmem:s14], [sflag:$0x5], $0x80, $0x38;
	[tilespmem:$0x1E000] =	vst v63  }
0x65: {  	_ =	swait.ge [sflag:s15], $0x80  }
0x66: {  	[sflag:s15] =	ssyncset.done $0x0  }
0x67: {  	s6 =	rddreg [dreg:$0x19];
	[sflag:s15] =	ssyncadd.s32 $0xFFFFFF80  }
0x68: {  	[spmem:s6] =	stream.linear.scatter [tilespmem:s14], [sflag:$0x5], $0x80, $0x38;
	[tilespmem:$0x1E000] =	vst v63  }
0x69: {  	_ =	swait.ge [sflag:s15], $0x80  }
0x6a: {  	[sflag:s15] =	ssyncset.done $0x0  }
0x6b: {  	[sflag:s15] =	ssyncadd.s32 $0xFFFFFF80  }
0x6c: {  	[spmem:s7] =	stream.linear.scatter [tilespmem:s14], [sflag:$0x5], $0x80, $0x38;
	[tilespmem:$0x1E000] =	vst v63  }
0x6d: {  	_ =	swait.ge [sflag:s15], $0x80  }
0x6e: {  	[sflag:s15] =	ssyncset.done $0x0  }
0x6f: {  	[sflag:s15] =	ssyncadd.s32 $0xFFFFFF80  }
0x70: {  	_ =	swait.ge [sflag:s16], $0x2780  }
0x71: {  	[sflag:s16] =	ssyncset.done $0x0  }
0x72: {  	[sflag:s16] =	ssyncadd.s32 $0xFFFFD880  }
0x73: {  	_ =	swait.ge [sflag:s16], $0x2780  }
0x74: {  	[sflag:s16] =	ssyncset.done $0x0  }
0x75: {  	[sflag:s16] =	ssyncadd.s32 $0xFFFFD880  }
0x76: {  	s26 =	simm.s32 $0x0;
	s6 =	simm.s32 $0x4F00;
	[bflag:$0x0] =	sbarrier.arrive $0xFFFF  }
0x77: {  	[tilespmem:s6], [sflag:$0x1] =	stream.linear.gather [hbm4b:s13+s26], $0x80, $0x38;
	[tilespmem:$0x1E000] =	vst v63  }
0x78: {  	s18 =	simm.s32 $0x5100;
	s17 =	rddreg [dreg:$0x9]  }
0x79: {  	[tilespmem:s18], [sflag:$0x1] =	stream.linear.gather [hbm4b:s17+s26], $0x80, $0x38;
	[tilespmem:$0x1E000] =	vst v63  }
0x7a: {  	_ =	swait.ge [sflag:s16], $0x80  }
0x7b: {  	[sflag:s16] =	ssyncset.done $0x0  }
0x7c: {  	[sflag:s16] =	ssyncadd.s32 $0xFFFFFF80  }
0x7d: {  	_ =	swait.ge [sflag:s16], $0x80  }
0x7e: {  	[sflag:s16] =	ssyncset.done $0x0  }
0x7f: {  	[sflag:s16] =	ssyncadd.s32 $0xFFFFFF80  }
0x80: {  	[tilespmem:s14], [sflag:$0x2] =	stream.indirect.gather [hbm4b:s1+s19], $0x80, s6, s19, $0xb8;
	[tilespmem:$0x1E000] =	vst v63  }
0x81: {  	v1 =	vld [tilespmem:$0x4F00]  }
0x82: {  	v2 =	vld [tilespmem:$0x5100];
	_ =	sdelay $0x6  }
0x83: {  	v1 =	vld.idx.msk [tilespmem:v1+s26+$0x0], $0xffff  }
0x84: {  	v2 =	vld.idx.msk [tilespmem:v2+s10+$0x0], $0xffff;
	_ =	sdelay $0x4  }
0x85: {  	v1 =	vadd.f32 v2, v1;
	_ =	sdelay $0x1  }
0x86: {  	v2 =	vmul.f32 $2.000000030e-01, v1  }
0x87: {  	vm0 =	vgt.f32 v1, $0.0e+00  }
0x88: {  	v1 =	vsel vm0, v1, v2  }
0x89: {  	v1 =	vmul.f32 $1.442695020e+00, v1;
	_ =	sdelay $0x1  }
0x8a: {  	(erf) = vpow2.f32 v1;
	_ =	sdelay $0x2  }
0x8b: {  	v1 =	vld [tilespmem:$0x4F10]  }
0x8c: {  	v2 =	vld [tilespmem:$0x5110];
	_ =	sdelay $0x4  }
0x8d: {  	v3 =	vpop (erf)  }
0x8e: {  	[tilespmem:$0x5300] =	vst v3  }
0x8f: {  	v1 =	vld.idx.msk [tilespmem:v1+s26+$0x0], $0xffff  }
0x90: {  	v2 =	vld.idx.msk [tilespmem:v2+s10+$0x0], $0xffff;
	_ =	sdelay $0x4  }
0x91: {  	v1 =	vadd.f32 v2, v1;
	_ =	sdelay $0x1  }
0x92: {  	v2 =	vmul.f32 $2.000000030e-01, v1  }
0x93: {  	vm12 =	vgt.f32 v1, $0.0e+00  }
0x94: {  	v1 =	vsel vm12, v1, v2  }
0x95: {  	v1 =	vmul.f32 $1.442695020e+00, v1;
	_ =	sdelay $0x1  }
0x96: {  	(erf) = vpow2.f32 v1;
	_ =	sdelay $0x2  }
0x97: {  	v1 =	vld [tilespmem:$0x4F20]  }
0x98: {  	v2 =	vld [tilespmem:$0x5120];
	_ =	sdelay $0x4  }
0x99: {  	v3 =	vpop (erf)  }
0x9a: {  	[tilespmem:$0x5310] =	vst v3  }
0x9b: {  	v1 =	vld.idx.msk [tilespmem:v1+s26+$0x0], $0xffff  }
0x9c: {  	v2 =	vld.idx.msk [tilespmem:v2+s10+$0x0], $0xffff;
	_ =	sdelay $0x4  }
0x9d: {  	v1 =	vadd.f32 v2, v1;
	_ =	sdelay $0x1  }
0x9e: {  	v2 =	vmul.f32 $2.000000030e-01, v1  }
0x9f: {  	vm13 =	vgt.f32 v1, $0.0e+00  }
0xa0: {  	v1 =	vsel vm13, v1, v2  }
0xa1: {  	v1 =	vmul.f32 $1.442695020e+00, v1;
	_ =	sdelay $0x1  }
0xa2: {  	(erf) = vpow2.f32 v1;
	_ =	sdelay $0x2  }
0xa3: {  	v1 =	vld [tilespmem:$0x4F30]  }
0xa4: {  	v2 =	vld [tilespmem:$0x5130];
	_ =	sdelay $0x4  }
0xa5: {  	v3 =	vpop (erf)  }
0xa6: {  	[tilespmem:$0x5320] =	vst v3  }
0xa7: {  	v1 =	vld.idx.msk [tilespmem:v1+s26+$0x0], $0xffff  }
0xa8: {  	v2 =	vld.idx.msk [tilespmem:v2+s10+$0x0], $0xffff;
	_ =	sdelay $0x4  }
0xa9: {  	v1 =	vadd.f32 v2, v1;
	_ =	sdelay $0x1  }
0xaa: {  	v2 =	vmul.f32 $2.000000030e-01, v1  }
0xab: {  	vm14 =	vgt.f32 v1, $0.0e+00  }
0xac: {  	v1 =	vsel vm14, v1, v2  }
0xad: {  	v1 =	vmul.f32 $1.442695020e+00, v1;
	_ =	sdelay $0x1  }
0xae: {  	(erf) = vpow2.f32 v1;
	_ =	sdelay $0x2  }
0xaf: {  	v1 =	vld [tilespmem:$0x4F40]  }
0xb0: {  	v2 =	vld [tilespmem:$0x5140];
	_ =	sdelay $0x4  }
0xb1: {  	v3 =	vpop (erf)  }
0xb2: {  	[tilespmem:$0x5330] =	vst v3  }
0xb3: {  	v1 =	vld.idx.msk [tilespmem:v1+s26+$0x0], $0xffff  }
0xb4: {  	v2 =	vld.idx.msk [tilespmem:v2+s10+$0x0], $0xffff;
	_ =	sdelay $0x4  }
0xb5: {  	v1 =	vadd.f32 v2, v1;
	_ =	sdelay $0x1  }
0xb6: {  	v2 =	vmul.f32 $2.000000030e-01, v1  }
0xb7: {  	vm15 =	vgt.f32 v1, $0.0e+00  }
0xb8: {  	v1 =	vsel vm15, v1, v2  }
0xb9: {  	v1 =	vmul.f32 $1.442695020e+00, v1;
	_ =	sdelay $0x1  }
0xba: {  	(erf) = vpow2.f32 v1;
	_ =	sdelay $0x8  }
0xbb: {  	v1 =	vpop (erf)  }
0xbc: {  	[tilespmem:$0x5340] =	vst v1  }
0xbd: {  	[spmem:s3] =	stream.indirect.scatter.add.f32 [tilespmem:s20], [sflag:$0x3], $0x1, s18, s19, $0xb8;
	[tilespmem:$0x1E000] =	vst v63  }
0xbe: {  	s29 =	simm.s32 $0x4F80;
	s28 =	rddreg [dreg:$0xa]  }
0xbf: {  	[tilespmem:s29], [sflag:$0x1] =	stream.linear.gather [hbm4b:s28+s26], $0x80, $0x38;
	[tilespmem:$0x1E000] =	vst v63  }
0xc0: {  	s31 =	simm.s32 $0x5180;
	s30 =	rddreg [dreg:$0xb]  }
0xc1: {  	[tilespmem:s31], [sflag:$0x1] =	stream.linear.gather [hbm4b:s30+s26], $0x80, $0x38;
	[tilespmem:$0x1E000] =	vst v63  }
.LBB2_4:
0xc2: {  	p2 =	seq.s32 s26, $0x7C  }
.Ltmp1:
0xc3: {  	_ = 	snop;
	(pc) =	sbr.rel @!p2 .LBB2_5-.Ltmp1, $1  }
0xc4: {  	_ =	sdelay $0x3  }
0xc5: {  	_ =	swait.ge [sflag:s22], $0x2800  }
.Ltmp2:
0xc6: {  	[sflag:s22] =	ssyncset.done $0x0;
	(pc) =	sbr.rel .LBB2_7-.Ltmp2, $4  }
0xc7: {  	[sflag:s22] =	ssyncadd.s32 $0xFFFFD800  }
0xc8: {  	_ =	swait.ge [sflag:s23], $0x50  }
0xc9: {  	[sflag:s23] =	ssyncset.done $0x0  }
0xca: {  	[sflag:s23] =	ssyncadd.s32 $0xFFFFFFB0  }
.LBB2_5:
0xcb: {  	_ =	swait.ge [sflag:s16], $0x80  }
0xcc: {  	[sflag:s16] =	ssyncset.done $0x0  }
0xcd: {  	[sflag:s16] =	ssyncadd.s32 $0xFFFFFF80  }
0xce: {  	s17 =	sshll.u32 s26, $0x7;
	_ =	swait.ge [sflag:s16], $0x80  }
0xcf: {  	s18 =	sadd.s32 $0x80, s17;
	[sflag:s16] =	ssyncset.done $0x0  }
0xd0: {  	s18 =	sand.u32 $0x180, s18;
	[sflag:s16] =	ssyncadd.s32 $0xFFFFFF80  }
0xd1: {  	v1 =	vld [tilespmem:s18+$0x4F00]  }
0xd2: {  	v2 =	vld [tilespmem:s18+$0x5100];
	_ =	sdelay $0x6  }
0xd3: {  	v1 =	vld.idx.msk [tilespmem:v1+s5+$0x0], $0xffff  }
0xd4: {  	v2 =	vld.idx.msk [tilespmem:v2+s10+$0x0], $0xffff;
	_ =	sdelay $0x4  }
0xd5: {  	v1 =	vadd.f32 v2, v1;
	_ =	sdelay $0x1  }
0xd6: {  	v2 =	vmul.f32 $2.000000030e-01, v1  }
0xd7: {  	vm0 =	vgt.f32 v1, $0.0e+00  }
0xd8: {  	v1 =	vsel vm0, v1, v2  }
0xd9: {  	v1 =	vmul.f32 $1.442695020e+00, v1;
	_ =	sdelay $0x1  }
0xda: {  	(erf) = vpow2.f32 v1;
	_ =	sdelay $0x2  }
0xdb: {  	v1 =	vld [tilespmem:s18+$0x4F10]  }
0xdc: {  	v2 =	vld [tilespmem:s18+$0x5110];
	_ =	sdelay $0x4  }
0xdd: {  	v3 =	vpop (erf)  }
0xde: {  	[tilespmem:s18+$0x5300] =	vst v3  }
0xdf: {  	v1 =	vld.idx.msk [tilespmem:v1+s5+$0x0], $0xffff  }
0xe0: {  	v2 =	vld.idx.msk [tilespmem:v2+s10+$0x0], $0xffff;
	_ =	sdelay $0x4  }
0xe1: {  	v1 =	vadd.f32 v2, v1;
	_ =	sdelay $0x1  }
0xe2: {  	v2 =	vmul.f32 $2.000000030e-01, v1  }
0xe3: {  	vm12 =	vgt.f32 v1, $0.0e+00  }
0xe4: {  	v1 =	vsel vm12, v1, v2  }
0xe5: {  	v1 =	vmul.f32 $1.442695020e+00, v1;
	_ =	sdelay $0x1  }
0xe6: {  	(erf) = vpow2.f32 v1;
	_ =	sdelay $0x2  }
0xe7: {  	v1 =	vld [tilespmem:s18+$0x4F20]  }
0xe8: {  	v2 =	vld [tilespmem:s18+$0x5120];
	_ =	sdelay $0x4  }
0xe9: {  	v3 =	vpop (erf)  }
0xea: {  	[tilespmem:s18+$0x5310] =	vst v3  }
0xeb: {  	v1 =	vld.idx.msk [tilespmem:v1+s5+$0x0], $0xffff  }
0xec: {  	v2 =	vld.idx.msk [tilespmem:v2+s10+$0x0], $0xffff;
	_ =	sdelay $0x4  }
0xed: {  	v1 =	vadd.f32 v2, v1;
	_ =	sdelay $0x1  }
0xee: {  	v2 =	vmul.f32 $2.000000030e-01, v1  }
0xef: {  	vm13 =	vgt.f32 v1, $0.0e+00  }
0xf0: {  	v1 =	vsel vm13, v1, v2  }
0xf1: {  	v1 =	vmul.f32 $1.442695020e+00, v1;
	_ =	sdelay $0x1  }
0xf2: {  	(erf) = vpow2.f32 v1;
	_ =	sdelay $0x2  }
0xf3: {  	v1 =	vld [tilespmem:s18+$0x4F30]  }
0xf4: {  	v2 =	vld [tilespmem:s18+$0x5130];
	_ =	sdelay $0x4  }
0xf5: {  	v3 =	vpop (erf)  }
0xf6: {  	[tilespmem:s18+$0x5320] =	vst v3  }
0xf7: {  	v1 =	vld.idx.msk [tilespmem:v1+s5+$0x0], $0xffff  }
0xf8: {  	v2 =	vld.idx.msk [tilespmem:v2+s10+$0x0], $0xffff;
	_ =	sdelay $0x4  }
0xf9: {  	v1 =	vadd.f32 v2, v1;
	_ =	sdelay $0x1  }
0xfa: {  	v2 =	vmul.f32 $2.000000030e-01, v1  }
0xfb: {  	vm14 =	vgt.f32 v1, $0.0e+00  }
0xfc: {  	v1 =	vsel vm14, v1, v2  }
0xfd: {  	v1 =	vmul.f32 $1.442695020e+00, v1;
	_ =	sdelay $0x1  }
0xfe: {  	(erf) = vpow2.f32 v1;
	_ =	sdelay $0x2  }
0xff: {  	v1 =	vld [tilespmem:s18+$0x4F40]  }
0x100: {  	v2 =	vld [tilespmem:s18+$0x5140];
	_ =	sdelay $0x4  }
0x101: {  	v3 =	vpop (erf)  }
0x102: {  	[tilespmem:s18+$0x5330] =	vst v3  }
0x103: {  	v1 =	vld.idx.msk [tilespmem:v1+s5+$0x0], $0xffff  }
0x104: {  	v2 =	vld.idx.msk [tilespmem:v2+s10+$0x0], $0xffff;
	_ =	sdelay $0x4  }
0x105: {  	v1 =	vadd.f32 v2, v1;
	_ =	sdelay $0x1  }
0x106: {  	v2 =	vmul.f32 $2.000000030e-01, v1  }
0x107: {  	vm15 =	vgt.f32 v1, $0.0e+00  }
0x108: {  	v1 =	vsel vm15, v1, v2  }
0x109: {  	v1 =	vmul.f32 $1.442695020e+00, v1;
	_ =	sdelay $0x1  }
0x10a: {  	(erf) = vpow2.f32 v1;
	_ =	sdelay $0x8  }
0x10b: {  	p2 =	seq.s32 s26, $0x0;
	v1 =	vpop (erf)  }
0x10c: {  	[tilespmem:s18+$0x5340] =	vst v1;
	s18 =	simm.s32 @!p2 $0x4  }
0x10d: {  	s28 =	sadd.s32 $0x1, s26;
	_ =	swait.ge @!p2 [sflag:s18], $0x2800  }
0x10e: {  	s29 =	sand.u32 $0x1, s28;
	[sflag:s18] =	ssyncset.done @!p2 $0x0  }
0x10f: {  	s28 =	sshll.u32 s28, $0x7;
	[sflag:s18] =	ssyncadd.s32 @!p2 $0xFFFFD800;
	s18 =	simm.s32 @!p2 $0x3  }
0x110: {  	p3 =	seq.s32 s29, $0x1;
	s29 =	simm.s32 $0x7D00;
	_ =	swait.ge @!p2 [sflag:s18], $0x50  }
0x111: {  	s28 =	sand.u32 $0x180, s28;
	s29 =	simm.s32 @!p3 $0x5500;
	[sflag:s18] =	ssyncset.done @!p2 $0x0  }
0x112: {  	s30 =	sadd.s32 $0x4F00, s28;
	[sflag:s18] =	ssyncadd.s32 @!p2 $0xFFFFFFB0;
	p2 =	sgt.u32 s26, $0x7A  }
0x113: {  	[tilespmem:s29], [sflag:$0x2] =	stream.indirect.gather [hbm4b:s1+s19], $0x80, s30, s19, $0xb8;
	[tilespmem:$0x1E000] =	vst v63  }
0x114: {  	s17 =	sadd.s32 @!p2 $0x100, s17  }
0x115: {  	s31 =	sadd.s32 $0x5300, s28;
	s28 =	sadd.s32 $0x5100, s28;
	s18 =	sand.u32 @!p2 $0x7C00, s17  }
0x116: {  	[spmem:s3] =	stream.indirect.scatter.add.f32 [tilespmem:s31], [sflag:$0x3], $0x1, s28, s19, $0xb8;
	[tilespmem:$0x1E000] =	vst v63  }
0x117: {  	s29 =	sand.u32 @!p2 $0x380, s17;
	s28 =	sadd.s32 @!p2 s11, s18  }
0x118: {  	s17 =	sand.u32 @!p2 $0x180, s17;
	s18 =	sadd.s32 @!p2 s12, s18;
	s28 =	sor.u32 @!p2 s29, s28  }
0x119: {  	s30 =	sadd.s32 @!p2 $0x4F00, s17;
	s18 =	sor.u32 @!p2 s29, s18;
	s28 =	sshrl.u32 @!p2 s28, $0x3  }
0x11a: {  	s31 =	simm.s32 @!p2 $0x0;
	s18 =	sshrl.u32 @!p2 s18, $0x3;
	s28 =	sadd.s32 @!p2 s8, s28  }
0x11b: {  	[tilespmem:s30], [sflag:$0x1] =	stream.linear.gather @!p2 [hbm4b:s28+s31], $0x80, $0x38;
	[tilespmem:$0x1E000] =	vst v63  }
0x11c: {  	s17 =	sadd.s32 @!p2 $0x5100, s17;
	s18 =	sadd.s32 @!p2 s8, s18  }
0x11d: {  	[tilespmem:s17], [sflag:$0x1] =	stream.linear.gather @!p2 [hbm4b:s18+s31], $0x80, $0x38;
	[tilespmem:$0x1E000] =	vst v63  }
.LBB2_7:
0x11e: {  	s0 =	sand.u32 $0x1, s26  }
0x11f: {  	_ =	swait.ge [sflag:s24], $0x2800;
	s18 =	simm.s32 $0x2800;
	p2 =	seq.s32 s0, $0x1  }
0x120: {  	[sflag:s24] =	ssyncset.done $0x0;
	s18 =	simm.s32 @!p2 $0x0  }
0x121: {  	[sflag:s24] =	ssyncadd.s32 $0xFFFFD800;
	s29 =	sor.u32 $0x5580, s18  }
0x122: {  	v3 =	vld [tilespmem:s29+$0xFFFFFFD0]  }
0x123: {  	v6 =	vld [tilespmem:s29+$0xFFFFFFA0]  }
0x124: {  	v7 =	vld [tilespmem:s29+$0x60]  }
0x125: {  	s17 =	sand.u32 $0x3, s26;
	v8 =	vld [tilespmem:s29+$0x70]  }
0x126: {  	s28 =	sshll.u32 s17, $0x7;
	v9 =	vld [tilespmem:s29+$0x50]  }
0x127: {  	s6 =	simm.s32 $0x0;
	v1 =	vmov s28;
	v12 =	vld [tilespmem:s29+$0x40]  }
0x128: {  	s30 =	smin.u32 s6, $0x4C;
	v2 =	vor.u32 $0x1, v1;
	v14 =	vld [tilespmem:s29+$0x10]  }
0x129: {  	s17 =	smin.u32 s6, $0x4D;
	s30 =	sadd.s32 $0x3, s30;
	v15 =	vld [tilespmem:s29+$0x0]  }
0x12a: {  	s17 =	sadd.s32 $0x2, s17;
	v5 =	vmov s30;
	v17 =	vld [tilespmem:s29+$0xFFFFFFC0]  }
0x12b: {  	v10 =	vmov s17;
	v11 =	vand.u32 $0x80, v5;
	v19 =	vld [tilespmem:s29+$0xFFFFFFF0]  }
0x12c: {  	v13 =	vand.u32 $0x80, v10;
	v5 =	vand.u32 $0x7F, v5;
	v11 =	vadd.s32 v1, v11;
	v4 =	vld.idx.msk [tilespmem:v1+s20+$0x0], $0xffff  }
0x12d: {  	v10 =	vand.u32 $0x7F, v10;
	v13 =	vadd.s32 v1, v13;
	v5 =	vor.u32 v5, v11;
	v2 =	vld.idx.msk [tilespmem:v2+s20+$0x0], $0xffff  }
0x12e: {  	v20 =	vld [tilespmem:s29+$0xFFFFFF80];
	v10 =	vor.u32 v10, v13  }
0x12f: {  	v18 =	vld [tilespmem:s29+$0xFFFFFF90]  }
0x130: {  	v22 =	vld [tilespmem:s29+$0xFFFFFFB0]  }
0x131: {  	v11 =	vld [tilespmem:s29+$0x20];
	v16 =	vmul.f32 v3, v4  }
0x132: {  	v3 =	vld.idx.msk [tilespmem:v5+s20+$0x0], $0xffff;
	v9 =	vmul.f32 v9, v2  }
0x133: {  	s30 =	simm.s32 $0x2;
	v5 =	vld.idx.msk [tilespmem:v10+s20+$0x0], $0xffff;
	v7 =	vmul.f32 v7, v2;
	[tilespmem:s29+$0xFFFFFFD0] =	vst v16  }
0x134: {  	s17 =	sadd.s32 $0x100, s29;
	s31 =	smin.u32 s30, $0x4D;
	v13 =	vld [tilespmem:s29+$0xFFFFFFE0];
	v6 =	vmul.f32 v6, v4;
	[tilespmem:s29+$0x50] =	vst v9  }
0x135: {  	s30 =	smin.u32 s30, $0x4C;
	s31 =	sadd.s32 $0x2, s31;
	v24 =	vmul.f32 v18, v4;
	v9 =	vmul.f32 v8, v2;
	v21 =	vld [tilespmem:s17+$0xFFFFFFD0];
	[tilespmem:s29+$0x60] =	vst v7  }
0x136: {  	s30 =	sadd.s32 $0x3, s30;
	v16 =	vmul.f32 v12, v2;
	v7 =	vmov s31;
	[tilespmem:s29+$0xFFFFFFA0] =	vst v6;
	v6 =	vmul.f32 v11, v2;
	v8 =	vld [tilespmem:s17+$0x60]  }
0x137: {  	v10 =	vand.u32 $0x80, v7;
	v11 =	vand.u32 $0x7F, v7;
	v18 =	vld [tilespmem:s17+$0xFFFFFFA0];
	[tilespmem:s29+$0x70] =	vst v9;
	v9 =	vmov s30  }
0x138: {  	[tilespmem:s29+$0x20] =	vst v6;
	v6 =	vadd.s32 v1, v10;
	v10 =	vmul.f32 v15, v2;
	v15 =	vmul.f32 v22, v4;
	v12 =	vld [tilespmem:s17+$0x70]  }
0x139: {  	v23 =	vand.u32 $0x7F, v9;
	v7 =	vld [tilespmem:s17+$0x50];
	[tilespmem:s29+$0x40] =	vst v16;
	v9 =	vand.u32 $0x80, v9;
	v16 =	vmul.f32 v13, v4  }
0x13a: {  	v13 =	vmul.f32 v14, v2;
	v6 =	vor.u32 v11, v6;
	v14 =	vmul.f32 v17, v4  }
0x13b: {  	[tilespmem:s29+$0xFFFFFF90] =	vst v24;
	v17 =	vmul.f32 v20, v4;
	v20 =	vmul.f32 v19, v4;
	v19 =	vld [tilespmem:s29+$0x30];
	v9 =	vadd.s32 v1, v9  }
0x13c: {  	s31 =	sadd.s32 $0x100, s17;
	s30 =	sor.u32 $0x5500, s18;
	s18 =	simm.s32 $0x4;
	v4 =	vmov v5;
	v11 =	vld [tilespmem:s17+$0x40];
	[tilespmem:s29+$0x10] =	vst v13;
	v9 =	vor.u32 v23, v9;
	v13 =	vmul.f32 v21, v5  }
.LBB2_8:
0x13d: {  	s0 =	smin.u32 s18, $0x4D  }
0x13e: {  	p2 =	sne.s32 s18, $0x4E;
	v18 =	vmul.f32 v18, v5;
	v21 =	vld [tilespmem:s17+$0x10];
	[tilespmem:s29+$0xFFFFFFF0] =	vst v20;
	s6 =	smov.u32 s18;
	s18 =	sadd.s32 $0x2, s18  }
0x13f: {  	s0 =	sadd.s32 $0x2, s0;
	s6 =	smin.u32 s6, $0x4C;
	v20 =	vld [tilespmem:s17+$0x20];
	v12 =	vmul.f32 v12, v3;
	[tilespmem:s29+$0xFFFFFFE0] =	vst v16  }
0x140: {  	v8 =	vmul.f32 v8, v3;
	v5 =	vmov s0;
	s0 =	sadd.s32 $0x3, s6;
	v16 =	vld [tilespmem:s17+$0xFFFFFFE0];
	[tilespmem:s29+$0x0] =	vst v10  }
0x141: {  	v10 =	vand.u32 $0x80, v5;
	v22 =	vmov s0;
	v23 =	vld [tilespmem:s17+$0x0];
	[tilespmem:s29+$0xFFFFFFC0] =	vst v14  }
0x142: {  	v5 =	vand.u32 $0x7F, v5;
	v14 =	vand.u32 $0x7F, v22;
	v24 =	vld [tilespmem:s17+$0xFFFFFFC0];
	[tilespmem:s29+$0xFFFFFF80] =	vst v17;
	v17 =	vmul.f32 v19, v2;
	v2 =	vmovc v3  }
0x143: {  	v11 =	vmul.f32 v11, v3;
	v10 =	vadd.s32 v1, v10;
	v19 =	vand.u32 $0x80, v22;
	v22 =	vld [tilespmem:s17+$0xFFFFFF80];
	[tilespmem:s29+$0xFFFFFFB0] =	vst v15  }
0x144: {  	v10 =	vor.u32 v5, v10;
	v5 =	vadd.s32 v1, v19;
	v19 =	vld [tilespmem:s17+$0xFFFFFFF0];
	[tilespmem:s29+$0x30] =	vst v17;
	s29 =	smov.u32 s17;
	s17 =	smov.u32 s31  }
0x145: {  	v7 =	vmul.f32 v7, v2;
	v3 =	vld.idx.msk [tilespmem:v9+s20+$0x0], $0xffff;
	v9 =	vor.u32 v14, v5  }
0x146: {  	v5 =	vld.idx.msk [tilespmem:v6+s20+$0x0], $0xffff;
	v6 =	vmov v10  }
0x147: {  	v10 =	vmul.f32 v23, v2;
	v15 =	vld [tilespmem:s29+$0xFFFFFF90];
	[tilespmem:s29+$0xFFFFFFD0] =	vst v13  }
0x148: {  	v13 =	vld [tilespmem:s31+$0xFFFFFFD0];
	[tilespmem:s29+$0xFFFFFFA0] =	vst v18  }
0x149: {  	v17 =	vmul.f32 v20, v2;
	v23 =	vld [tilespmem:s29+$0xFFFFFFB0];
	[tilespmem:s29+$0x50] =	vst v7  }
0x14a: {  	v16 =	vmul.f32 v16, v4;
	v18 =	vld [tilespmem:s31+$0xFFFFFFA0];
	[tilespmem:s29+$0x60] =	vst v8  }
.Ltmp3:
0x14b: {  	v14 =	vmul.f32 v24, v4;
	v8 =	vld [tilespmem:s31+$0x60];
	[tilespmem:s29+$0x70] =	vst v12;
	(pc) =	sbr.rel @p2 .LBB2_8-.Ltmp3, $4  }
0x14c: {  	v12 =	vld [tilespmem:s31+$0x70];
	v15 =	vmul.f32 v15, v4;
	[tilespmem:s29+$0x20] =	vst v17  }
0x14d: {  	v21 =	vmul.f32 v21, v2;
	v17 =	vmul.f32 v22, v4;
	v7 =	vld [tilespmem:s31+$0x50];
	[tilespmem:s29+$0x40] =	vst v11  }
0x14e: {  	v20 =	vmul.f32 v19, v4;
	v11 =	vld [tilespmem:s31+$0x40];
	[tilespmem:s29+$0xFFFFFF90] =	vst v15;
	v15 =	vmul.f32 v23, v4;
	v4 =	vmov v5  }
0x14f: {  	v13 =	vmul.f32 v13, v5;
	s31 =	sadd.s32 $0x100, s31;
	[tilespmem:s29+$0x10] =	vst v21;
	v19 =	vld [tilespmem:s29+$0x30]  }
0x150: {  	v1 =	vld [tilespmem:s17+$0x10];
	[tilespmem:s29+$0xFFFFFFF0] =	vst v20  }
0x151: {  	[tilespmem:s29+$0xFFFFFFE0] =	vst v16  }
0x152: {  	[tilespmem:s29+$0xFFFFFF80] =	vst v17;
	v6 =	vld [tilespmem:s17+$0xFFFFFFE0]  }
0x153: {  	[tilespmem:s29+$0xFFFFFFC0] =	vst v14;
	v9 =	vld [tilespmem:s17+$0x20]  }
0x154: {  	[tilespmem:s29+$0x0] =	vst v10;
	v54 =	vld [tilespmem:s17+$0xFFFFFF80]  }
0x155: {  	v5 =	vmul.f32 v18, v5;
	v14 =	vld [tilespmem:s17+$0xFFFFFFC0];
	[tilespmem:s29+$0xFFFFFFB0] =	vst v15  }
0x156: {  	v57 =	vmul.f32 v12, v3;
	[tilespmem:s17+$0xFFFFFFD0] =	vst v13  }
0x157: {  	v16 =	vld [tilespmem:s17+$0x0];
	[tilespmem:s17+$0xFFFFFFA0] =	vst v5;
	v2 =	vmul.f32 v19, v2  }
0x158: {  	v8 =	vmul.f32 v8, v3;
	v56 =	vld [tilespmem:s17+$0xFFFFFF90];
	[tilespmem:s17+$0x70] =	vst v57  }
0x159: {  	v55 =	vld [tilespmem:s17+$0xFFFFFFF0];
	[tilespmem:s29+$0x30] =	vst v2;
	v2 =	vmul.f32 v7, v3  }
0x15a: {  	v58 =	vmul.f32 v11, v3;
	[tilespmem:s17+$0x60] =	vst v8  }
0x15b: {  	[tilespmem:s17+$0x50] =	vst v2;
	v2 =	vmul.f32 v9, v3  }
0x15c: {  	v1 =	vmul.f32 v1, v3;
	[tilespmem:s17+$0x40] =	vst v58  }
0x15d: {  	[tilespmem:s17+$0x20] =	vst v2;
	v2 =	vmul.f32 v56, v4  }
0x15e: {  	v59 =	vld [tilespmem:s17+$0xFFFFFFB0];
	v60 =	vmul.f32 v55, v4;
	[tilespmem:s17+$0x10] =	vst v1  }
0x15f: {  	v1 =	vmul.f32 v6, v4;
	[tilespmem:s17+$0xFFFFFF90] =	vst v2;
	v2 =	vld [tilespmem:s17+$0x30]  }
0x160: {  	v61 =	vmul.f32 v16, v3;
	[tilespmem:s17+$0xFFFFFFF0] =	vst v60  }
0x161: {  	s26 =	sadd.s32 $0x1, s26;
	v62 =	vmul.f32 v14, v4;
	[tilespmem:s17+$0xFFFFFFE0] =	vst v1  }
0x162: {  	p2 =	sne.s32 s26, $0x7D;
	v1 =	vmul.f32 v54, v4;
	[tilespmem:s17+$0x0] =	vst v61  }
.Ltmp4:
0x163: {  	v63 =	vmul.f32 v59, v4;
	[tilespmem:s17+$0xFFFFFFC0] =	vst v62;
	(pc) =	sbr.rel @p2 .LBB2_4-.Ltmp4, $4  }
0x164: {  	[tilespmem:s17+$0xFFFFFF80] =	vst v1;
	v1 =	vmul.f32 v2, v3  }
0x165: {  	[tilespmem:s17+$0xFFFFFFB0] =	vst v63  }
0x166: {  	s0 =	sadd.s32 $0x5100, s28;
	[tilespmem:s17+$0x30] =	vst v1  }
0x167: {  	[spmem:s2] =	stream.indirect.scatter.add.f32 [tilespmem:s30], [sflag:$0x4], $0x80, s0, s19, $0xb8;
	[tilespmem:$0x1E000] =	vst v63  }
0x168: {  	_ =	swait.ge [sflag:s23], $0x50  }
0x169: {  	[sflag:s23] =	ssyncset.done $0x0  }
0x16a: {  	[sflag:s23] =	ssyncadd.s32 $0xFFFFFFB0  }
0x16b: {  	_ =	swait.ge [sflag:s22], $0x2800  }
0x16c: {  	[sflag:s22] =	ssyncset.done $0x0  }
0x16d: {  	[sflag:s22] =	ssyncadd.s32 $0xFFFFD800  }
0x16e: {  	[bflag:$0x0] =	sbarrier.arrive $0xFFFF  }
0x16f: {  	s6 =	rddreg [dreg:$0xd]  }
0x170: {  	s0 =	simm.s32 @p0 $0x1FC5;
	s17 =	rddreg [dreg:$0x12]  }
0x171: {  	[hbm:s6], [sflag:s0] =	dma.local @p0 [spmem:s17], $0x2800  }
0x172: {  	s0 =	simm.s32 @p0 $0x5  }
0x173: {  	_ =	swait.ge @p0 [sflag:s0], $0x2800  }
0x174: {  	s6 =	sshll.u32 @!p0 s4, $0x6;
	[sflag:s0] =	ssyncset.done @p0 $0x0;
	s17 =	rddreg [dreg:$0xc]  }
0x175: {  	[sflag:s0] =	ssyncadd.s32 @p0 $0xFFFFD800;
	s0 =	sor.u32 @!p0 $0x1C05, s6;
	s6 =	sshrl.u32 @!p0 s9, $0x3  }
0x176: {  	[hbm:s17], [sflag:s0] =	dma.local @!p0 [spmem:s6], $0x2700  }
0x177: {  	s0 =	simm.s32 @!p0 $0x5  }
0x178: {  	s26 =	sshll.u32 s4, $0x6;
	s29 =	sshrl.u32 s21, $0x3;
	_ =	swait.ge @!p0 [sflag:s0], $0x2700  }
0x179: {  	s18 =	simm.s32 $0x20;
	s28 =	sor.u32 $0x1C05, s26;
	[sflag:s0] =	ssyncset.done @!p0 $0x0  }
0x17a: {  	s26 =	simm.s32 $0x10;
	s30 =	rddreg [dreg:$0xe];
	[sflag:s0] =	ssyncadd.s32 @!p0 $0xFFFFD900  }
0x17b: {  	[hbm:s30@s18], [sflag:s28] =	dma.strided [spmem:s29@s26], $0x50, s16, $0x10   }
0x17c: {  	_ =	swait.ge [sflag:s15], $0x50  }
0x17d: {  	s25 =	sadd.s32 $0x1, s25;
	s31 =	rddreg [dreg:$0xf]  }
0x17e: {  	p2 =	sne.s32 s25, s31  }
.Ltmp5:
0x17f: {  	_ = 	snop;
	(pc) =	sbr.rel @p2 .LBB2_1-.Ltmp5, $3  }
0x180: {  	_ =	sdelay $0x1  }
0x181: {  	[sflag:s15] =	ssyncset.done $0x0  }
0x182: {  	[sflag:s15] =	ssyncadd.s32 $0xFFFFFFB0  }
0x183: {  	_ =	sfence.sel $0x180000  }
0x184: {  	[bflag:$0x0] =	sbarrier.arrive $0xFFFF  }
0x185: {  	_ =	strace $0x90000047  }
0x186: {  	[bflag:$0x2] =	sbarrier.arrive $0xFFFF  }
0x187: {  	p0 =	sne.s32 s4, $0x0;
	s0 =	rddreg [dreg:$0x4]  }
0x188: {  	s0 =	sadd.s32 @!p0 $0x100000, s0  }
0x189: {  	[sflag:s0] =	ssyncadd.tile.s32 @!p0 $0x1;
	_ =	shalt  }
.Lfunc_end2:
_tile_overlayer_lowered:
.L_overlay_start_2:
0x18a: {  	(tag) =	ssettag $0x2  }
0x18b: {  	s0 =	rddreg [dreg:$0x0];
	s2 =	stileid.u32  }
0x18c: {  	s1 =	rddreg [dreg:$0x1];
	p0 =	sne.s32 s2, $0x0  }
0x18d: {  	s3 =	rddreg [dreg:$0x2];
	[bflag:$0x3] =	sbarrier.arrive $0xFFFF;
	s2 =	simm.s32 @!p0 $0x1C05  }
0x18e: {  	[timem:s3], [sflag:s2] =	dma.local @!p0 [hbm:s0], s1  }
0x18f: {  	s0 =	simm.s32 @!p0 $0x5  }
0x190: {  	_ =	swait.ge @!p0 [sflag:s0], s1  }
0x191: {  	s1 =	ssub.s32 @!p0 $0x0, s1;
	[sflag:s0] =	ssyncset.done @!p0 $0x0  }
0x192: {  	[sflag:s0] =	ssyncadd.s32 @!p0 s1  }
0x193: {  	[bflag:$0x3] =	sbarrier.arrive $0xFFFF  }
0x194: {  	_ =	shalt  }

</sc_bundles>
